<compile_context>
chip_gen: v7x
topology: tpu7x:2x2x1
jax: 0.10.2.dev20260603
libtpu: 0.0.44.dev20260713+nightly
codegen_flags: <defaults>
</compile_context>

<pallas_src>
import functools

import jax
import jax.numpy as jnp
from jax import lax
from jax.experimental import pallas as pl
from jax.experimental.pallas import tpu as pltpu
from jax.experimental.pallas import tpu_sc as plsc

D = 128
NC = 2
NS = 16
NW = NC * NS
VL = 16
NV = D // VL


def kernel(user, item, user_table, item_table, W, b):
    B = user.shape[0]
    rpw = B // NW
    c = 128
    nchunk = rpw // c
    nbuf = 2
    user2 = user.astype(jnp.int32).reshape(NW, nchunk, c)
    item2 = item.astype(jnp.int32).reshape(NW, nchunk, c)
    w_flat = W.reshape(D)
    b_vec = jnp.broadcast_to(b.reshape(1), (VL,))

    mesh = plsc.VectorSubcoreMesh(
        core_axis_name="c", subcore_axis_name="s",
        num_cores=NC, num_subcores=NS)

    @functools.partial(
        pl.kernel,
        out_type=jax.ShapeDtypeStruct((B,), jnp.float32),
        mesh=mesh,
        compiler_params=pltpu.CompilerParams(needs_layout_passes=False),
        scratch_types=[
            pltpu.VMEM((nchunk, c), jnp.int32),
            pltpu.VMEM((nchunk, c), jnp.int32),
            pltpu.VMEM((nbuf, c, D), jnp.float32),
            pltpu.VMEM((nbuf, c, D), jnp.float32),
            pltpu.VMEM((D,), jnp.float32),
            pltpu.VMEM((VL,), jnp.float32),
            pltpu.VMEM((rpw,), jnp.float32),
            [pltpu.SemaphoreType.DMA] * nbuf,
        ],
    )
    def gmf(user_hbm, item_hbm, ut_hbm, it_hbm, w_hbm, b_hbm, out_hbm,
            uidx, iidx, urows, irows, w_v, b_v, out_v, gsem):
        cid = lax.axis_index("c")
        sid = lax.axis_index("s")
        wid = sid * NC + cid
        pltpu.sync_copy(user_hbm.at[wid], uidx)
        pltpu.sync_copy(item_hbm.at[wid], iidx)
        pltpu.sync_copy(w_hbm, w_v)
        pltpu.sync_copy(b_hbm, b_v)

        def start(j, slot):
            pltpu.async_copy(ut_hbm.at[uidx.at[j]], urows.at[slot], gsem[slot])
            pltpu.async_copy(it_hbm.at[iidx.at[j]], irows.at[slot], gsem[slot])

        def wait(slot):
            pltpu.make_async_copy(ut_hbm.at[uidx.at[0]], urows.at[slot],
                                  gsem[slot]).wait()
            pltpu.make_async_copy(it_hbm.at[iidx.at[0]], irows.at[slot],
                                  gsem[slot]).wait()

        wregs = [w_v[pl.ds(v * VL, VL)] for v in range(NV)]
        lanes = lax.broadcasted_iota(jnp.int32, (VL,), 0)
        lane0 = lanes == 0
        perms = [lanes ^ k for k in (8, 4, 2, 1)]

        for slot in range(nbuf):
            start(slot, slot)

        @pl.loop(0, nchunk // nbuf)
        def _group(g):
            for slot in range(nbuf):
                j = g * nbuf + slot
                wait(slot)
                u_ref = urows.at[slot]
                i_ref = irows.at[slot]

                @plsc.parallel_loop(0, c, unroll=2)
                def _row(r):
                    acc = u_ref[r, pl.ds(0, VL)] * i_ref[r, pl.ds(0, VL)] * wregs[0]
                    for v in range(1, NV):
                        acc = acc + (u_ref[r, pl.ds(v * VL, VL)]
                                     * i_ref[r, pl.ds(v * VL, VL)] * wregs[v])
                    for p in perms:
                        acc = acc + acc[p]
                    pos = jnp.broadcast_to(j * c + r, (VL,)).astype(jnp.int32)
                    plsc.store_scatter(out_v, [pos], acc, mask=lane0)

                @pl.when(j + nbuf < nchunk)
                def _():
                    start(j + nbuf, slot)

        bb = b_v[...]

        @pl.loop(0, rpw // VL)
        def _sig(t):
            x = out_v[pl.ds(t * VL, VL)]
            out_v[pl.ds(t * VL, VL)] = 1.0 / (1.0 + jnp.exp(-(x + bb)))

        pltpu.sync_copy(out_v, out_hbm.at[pl.ds(wid * rpw, rpw)])

    return gmf(user2, item2, user_table, item_table, w_flat, b_vec)

# --- scband reference (transcript-rebuilt; emitter-appended) ---
"""Pipeline reference for scband-gmf-67525475828234 (READ-ONLY COPY).

The authoritative reference and input builder live on the scoring server;
editing this copy changes nothing except your own understanding.
"""

import jax, jax.numpy as jnp
import numpy as np

NUM_USERS = 1000000
NUM_ITEMS = 1000000
LATENT_DIM = 128
BATCH = 16384


def setup_inputs(seed: int = 0) -> dict:
    key = jax.random.key(seed)
    k_user, k_item, k_ut, k_it, k_w, k_b = jax.random.split(key, 6)
    user = jax.random.randint(k_user, (BATCH,), 0, NUM_USERS, dtype=jnp.int64 if jax.config.jax_enable_x64 else jnp.int32)
    item = jax.random.randint(k_item, (BATCH,), 0, NUM_ITEMS, dtype=jnp.int64 if jax.config.jax_enable_x64 else jnp.int32)
    # Learned parameters: embeddings initialized N(0, 0.01) per module init
    user_table = jax.random.normal(k_ut, (NUM_USERS, LATENT_DIM), dtype=jnp.float32) * 0.01
    item_table = jax.random.normal(k_it, (NUM_ITEMS, LATENT_DIM), dtype=jnp.float32) * 0.01
    # Linear(latent_dim, 1): default torch init U(-1/sqrt(fan_in), 1/sqrt(fan_in))
    bound = 1.0 / np.sqrt(LATENT_DIM)
    W = jax.random.uniform(k_w, (LATENT_DIM, 1), dtype=jnp.float32, minval=-bound, maxval=bound)
    b = jax.random.uniform(k_b, (1,), dtype=jnp.float32, minval=-bound, maxval=bound)
    return {"user": user, "item": item, "user_table": user_table, "item_table": item_table, "W": W, "b": b}


def reference(user, item, user_table, item_table, W, b):
    user_latent = jnp.take(user_table, user, axis=0)        # [B, D] gather
    item_latent = jnp.take(item_table, item, axis=0)        # [B, D] gather
    elementwise_product = user_latent * item_latent          # [B, D]
    out = elementwise_product @ W + b                        # [B, 1]
    logits = jax.nn.sigmoid(out)
    return jnp.squeeze(logits, axis=-1)                      # [B]

if __name__ == "__main__":
    import jax
    _d = setup_inputs()
    print(jax.jit(kernel)(*tuple(_d.values())))

</pallas_src>

<mosaic_0001>
#map = affine_map<(d0, d1) -> (0, 0, 0)>
#map1 = affine_map<(d0, d1) -> (0, 0)>
#map2 = affine_map<(d0, d1) -> (0)>
module attributes {stable_mosaic.version = 14 : i64} {
  func.func @gmf(%arg0: i32, %arg1: i32, %arg2: memref<32x4x128xi32, #tpu.memory_space<hbm>>, %arg3: memref<32x4x128xi32, #tpu.memory_space<hbm>>, %arg4: memref<1000000x128xf32, #tpu.memory_space<hbm>>, %arg5: memref<1000000x128xf32, #tpu.memory_space<hbm>>, %arg6: memref<128xf32, #tpu.memory_space<hbm>>, %arg7: memref<16xf32, #tpu.memory_space<hbm>>, %arg8: memref<16384xf32, #tpu.memory_space<hbm>>, %arg9: memref<4x128xi32, #tpu.memory_space<vmem>>, %arg10: memref<4x128xi32, #tpu.memory_space<vmem>>, %arg11: memref<2x128x128xf32, #tpu.memory_space<vmem>>, %arg12: memref<2x128x128xf32, #tpu.memory_space<vmem>>, %arg13: memref<128xf32, #tpu.memory_space<vmem>>, %arg14: memref<16xf32, #tpu.memory_space<vmem>>, %arg15: memref<512xf32, #tpu.memory_space<vmem>>, %arg16: memref<!tpu.dma_semaphore, #tpu.memory_space<semaphore_mem>>, %arg17: memref<!tpu.dma_semaphore, #tpu.memory_space<semaphore_mem>>) attributes {dimension_semantics = [#tpu.dimension_semantics<core_parallel>, #tpu.dimension_semantics<subcore_parallel>], iteration_bounds = array<i64: 2, 16>, scalar_prefetch = 0 : i64, scratch_operands = 9 : i64, tpu.core_type = #tpu.core_type<sc_vector_subcore>, window_params = [{transform_indices = #map}, {transform_indices = #map}, {transform_indices = #map1}, {transform_indices = #map1}, {transform_indices = #map2}, {transform_indices = #map2}, {transform_indices = #map2}]} {
    %mul3A = arith.constant 2 : i32
    %mul3A_0 = arith.muli %arg1, %mul3A : i32
    %add3A = arith.addi %mul3A_0, %arg0 : i32
    "tpu.region"() ({
      %run_scoped3A = tpu.sem_alloc : memref<!tpu.dma_semaphore, #tpu.memory_space<semaphore_mem>>
      %dma_start3A_89 = arith.constant 0 : i32
      %dma_start3A_90 = arith.constant 0 : i32
      %dma_start3A_91 = tpu.memref_slice %arg2[%add3A, %dma_start3A_89, %dma_start3A_90] : memref<32x4x128xi32, #tpu.memory_space<hbm>> -> memref<1x4x128xi32, #tpu.memory_space<hbm>>
      %dma_start3A_92 = tpu.memref_squeeze %dma_start3A_91 : memref<1x4x128xi32, #tpu.memory_space<hbm>> -> memref<4x128xi32, #tpu.memory_space<hbm>>
      %dma_start3A_93 = arith.constant 0 : i32
      %dma_start3A_94 = arith.constant 0 : i32
      %dma_start3A_95 = tpu.memref_slice %arg2[%add3A, %dma_start3A_93, %dma_start3A_94] : memref<32x4x128xi32, #tpu.memory_space<hbm>> -> memref<1x4x128xi32, #tpu.memory_space<hbm>>
      %dma_start3A_96 = tpu.memref_squeeze %dma_start3A_95 : memref<1x4x128xi32, #tpu.memory_space<hbm>> -> memref<4x128xi32, #tpu.memory_space<hbm>>
      tpu.enqueue_dma source(%dma_start3A_96 : memref<4x128xi32, #tpu.memory_space<hbm>>) target(%arg9 : memref<4x128xi32, #tpu.memory_space<vmem>>) target_semaphore(%run_scoped3A : memref<!tpu.dma_semaphore, #tpu.memory_space<semaphore_mem>>)
      %dma_wait3A = arith.constant 0 : i32
      %dma_wait3A_97 = arith.constant 0 : i32
      %dma_wait3A_98 = tpu.memref_slice %arg2[%add3A, %dma_wait3A, %dma_wait3A_97] : memref<32x4x128xi32, #tpu.memory_space<hbm>> -> memref<1x4x128xi32, #tpu.memory_space<hbm>>
      %dma_wait3A_99 = tpu.memref_squeeze %dma_wait3A_98 : memref<1x4x128xi32, #tpu.memory_space<hbm>> -> memref<4x128xi32, #tpu.memory_space<hbm>>
      %dma_wait3A_100 = arith.constant 0 : i32
      %dma_wait3A_101 = arith.constant 0 : i32
      %dma_wait3A_102 = tpu.memref_slice %arg2[%add3A, %dma_wait3A_100, %dma_wait3A_101] : memref<32x4x128xi32, #tpu.memory_space<hbm>> -> memref<1x4x128xi32, #tpu.memory_space<hbm>>
      %dma_wait3A_103 = tpu.memref_squeeze %dma_wait3A_102 : memref<1x4x128xi32, #tpu.memory_space<hbm>> -> memref<4x128xi32, #tpu.memory_space<hbm>>
      tpu.wait_dma2 semaphore(%run_scoped3A : memref<!tpu.dma_semaphore, #tpu.memory_space<semaphore_mem>>) src(%dma_wait3A_103 : memref<4x128xi32, #tpu.memory_space<hbm>>) dst(%arg9 : memref<4x128xi32, #tpu.memory_space<vmem>>)
      tpu.yield
    }) : () -> ()
    "tpu.region"() ({
      %run_scoped3A = tpu.sem_alloc : memref<!tpu.dma_semaphore, #tpu.memory_space<semaphore_mem>>
      %dma_start3A_89 = arith.constant 0 : i32
      %dma_start3A_90 = arith.constant 0 : i32
      %dma_start3A_91 = tpu.memref_slice %arg3[%add3A, %dma_start3A_89, %dma_start3A_90] : memref<32x4x128xi32, #tpu.memory_space<hbm>> -> memref<1x4x128xi32, #tpu.memory_space<hbm>>
      %dma_start3A_92 = tpu.memref_squeeze %dma_start3A_91 : memref<1x4x128xi32, #tpu.memory_space<hbm>> -> memref<4x128xi32, #tpu.memory_space<hbm>>
      %dma_start3A_93 = arith.constant 0 : i32
      %dma_start3A_94 = arith.constant 0 : i32
      %dma_start3A_95 = tpu.memref_slice %arg3[%add3A, %dma_start3A_93, %dma_start3A_94] : memref<32x4x128xi32, #tpu.memory_space<hbm>> -> memref<1x4x128xi32, #tpu.memory_space<hbm>>
      %dma_start3A_96 = tpu.memref_squeeze %dma_start3A_95 : memref<1x4x128xi32, #tpu.memory_space<hbm>> -> memref<4x128xi32, #tpu.memory_space<hbm>>
      tpu.enqueue_dma source(%dma_start3A_96 : memref<4x128xi32, #tpu.memory_space<hbm>>) target(%arg10 : memref<4x128xi32, #tpu.memory_space<vmem>>) target_semaphore(%run_scoped3A : memref<!tpu.dma_semaphore, #tpu.memory_space<semaphore_mem>>)
      %dma_wait3A = arith.constant 0 : i32
      %dma_wait3A_97 = arith.constant 0 : i32
      %dma_wait3A_98 = tpu.memref_slice %arg3[%add3A, %dma_wait3A, %dma_wait3A_97] : memref<32x4x128xi32, #tpu.memory_space<hbm>> -> memref<1x4x128xi32, #tpu.memory_space<hbm>>
      %dma_wait3A_99 = tpu.memref_squeeze %dma_wait3A_98 : memref<1x4x128xi32, #tpu.memory_space<hbm>> -> memref<4x128xi32, #tpu.memory_space<hbm>>
      %dma_wait3A_100 = arith.constant 0 : i32
      %dma_wait3A_101 = arith.constant 0 : i32
      %dma_wait3A_102 = tpu.memref_slice %arg3[%add3A, %dma_wait3A_100, %dma_wait3A_101] : memref<32x4x128xi32, #tpu.memory_space<hbm>> -> memref<1x4x128xi32, #tpu.memory_space<hbm>>
      %dma_wait3A_103 = tpu.memref_squeeze %dma_wait3A_102 : memref<1x4x128xi32, #tpu.memory_space<hbm>> -> memref<4x128xi32, #tpu.memory_space<hbm>>
      tpu.wait_dma2 semaphore(%run_scoped3A : memref<!tpu.dma_semaphore, #tpu.memory_space<semaphore_mem>>) src(%dma_wait3A_103 : memref<4x128xi32, #tpu.memory_space<hbm>>) dst(%arg10 : memref<4x128xi32, #tpu.memory_space<vmem>>)
      tpu.yield
    }) : () -> ()
    "tpu.region"() ({
      %run_scoped3A = tpu.sem_alloc : memref<!tpu.dma_semaphore, #tpu.memory_space<semaphore_mem>>
      tpu.enqueue_dma source(%arg6 : memref<128xf32, #tpu.memory_space<hbm>>) target(%arg13 : memref<128xf32, #tpu.memory_space<vmem>>) target_semaphore(%run_scoped3A : memref<!tpu.dma_semaphore, #tpu.memory_space<semaphore_mem>>)
      tpu.wait_dma2 semaphore(%run_scoped3A : memref<!tpu.dma_semaphore, #tpu.memory_space<semaphore_mem>>) src(%arg6 : memref<128xf32, #tpu.memory_space<hbm>>) dst(%arg13 : memref<128xf32, #tpu.memory_space<vmem>>)
      tpu.yield
    }) : () -> ()
    "tpu.region"() ({
      %run_scoped3A = tpu.sem_alloc : memref<!tpu.dma_semaphore, #tpu.memory_space<semaphore_mem>>
      tpu.enqueue_dma source(%arg7 : memref<16xf32, #tpu.memory_space<hbm>>) target(%arg14 : memref<16xf32, #tpu.memory_space<vmem>>) target_semaphore(%run_scoped3A : memref<!tpu.dma_semaphore, #tpu.memory_space<semaphore_mem>>)
      tpu.wait_dma2 semaphore(%run_scoped3A : memref<!tpu.dma_semaphore, #tpu.memory_space<semaphore_mem>>) src(%arg7 : memref<16xf32, #tpu.memory_space<hbm>>) dst(%arg14 : memref<16xf32, #tpu.memory_space<vmem>>)
      tpu.yield
    }) : () -> ()
    %get3A = arith.constant 0 : index
    %get3A_1 = tpu.vector_load %arg13[%get3A] {strides = array<i32>} : memref<128xf32, #tpu.memory_space<vmem>>, vector<16xf32>,
    %get3A_2 = arith.constant 16 : index
    %get3A_3 = tpu.vector_load %arg13[%get3A_2] {strides = array<i32>} : memref<128xf32, #tpu.memory_space<vmem>>, vector<16xf32>,
    %get3A_4 = arith.constant 32 : index
    %get3A_5 = tpu.vector_load %arg13[%get3A_4] {strides = array<i32>} : memref<128xf32, #tpu.memory_space<vmem>>, vector<16xf32>,
    %get3A_6 = arith.constant 48 : index
    %get3A_7 = tpu.vector_load %arg13[%get3A_6] {strides = array<i32>} : memref<128xf32, #tpu.memory_space<vmem>>, vector<16xf32>,
    %get3A_8 = arith.constant 64 : index
    %get3A_9 = tpu.vector_load %arg13[%get3A_8] {strides = array<i32>} : memref<128xf32, #tpu.memory_space<vmem>>, vector<16xf32>,
    %get3A_10 = arith.constant 80 : index
    %get3A_11 = tpu.vector_load %arg13[%get3A_10] {strides = array<i32>} : memref<128xf32, #tpu.memory_space<vmem>>, vector<16xf32>,
    %get3A_12 = arith.constant 96 : index
    %get3A_13 = tpu.vector_load %arg13[%get3A_12] {strides = array<i32>} : memref<128xf32, #tpu.memory_space<vmem>>, vector<16xf32>,
    %get3A_14 = arith.constant 112 : index
    %get3A_15 = tpu.vector_load %arg13[%get3A_14] {strides = array<i32>} : memref<128xf32, #tpu.memory_space<vmem>>, vector<16xf32>,
    %iota3A = tpu.iota {dimensions = array<i32: 0>} : vector<16xi32>
    %eq3A = arith.constant 0 : i32
    %eq3A_16 = vector.broadcast %eq3A : i32 to vector<16xi32>
    %eq3A_17 = arith.cmpi eq, %iota3A, %eq3A_16 : vector<16xi32>
    %xor3A = arith.constant 8 : i32
    %xor3A_18 = vector.broadcast %xor3A : i32 to vector<16xi32>
    %xor3A_19 = arith.xori %iota3A, %xor3A_18 : vector<16xi32>
    %xor3A_20 = arith.constant 4 : i32
    %xor3A_21 = vector.broadcast %xor3A_20 : i32 to vector<16xi32>
    %xor3A_22 = arith.xori %iota3A, %xor3A_21 : vector<16xi32>
    %xor3A_23 = arith.constant 2 : i32
    %xor3A_24 = vector.broadcast %xor3A_23 : i32 to vector<16xi32>
    %xor3A_25 = arith.xori %iota3A, %xor3A_24 : vector<16xi32>
    %xor3A_26 = arith.constant 1 : i32
    %xor3A_27 = vector.broadcast %xor3A_26 : i32 to vector<16xi32>
    %xor3A_28 = arith.xori %iota3A, %xor3A_27 : vector<16xi32>
    %dma_start3A = arith.constant 0 : i32
    %dma_start3A_29 = arith.constant 0 : i32
    %dma_start3A_30 = arith.constant 0 : i32
    %dma_start3A_31 = arith.constant 0 : i32
    %dma_start3A_32 = tpu.memref_slice %arg11[%dma_start3A_29, %dma_start3A_30, %dma_start3A_31] : memref<2x128x128xf32, #tpu.memory_space<vmem>> -> memref<1x128x128xf32, #tpu.memory_space<vmem>>
    %dma_start3A_33 = tpu.memref_squeeze %dma_start3A_32 : memref<1x128x128xf32, #tpu.memory_space<vmem>> -> memref<128x128xf32, #tpu.memory_space<vmem>>
    %dma_start3A_34 = arith.constant 0 : i32
    %dma_start3A_35 = tpu.memref_slice %arg9[%dma_start3A, %dma_start3A_34] : memref<4x128xi32, #tpu.memory_space<vmem>> -> memref<1x128xi32, #tpu.memory_space<vmem>>
    %dma_start3A_36 = tpu.memref_squeeze %dma_start3A_35 : memref<1x128xi32, #tpu.memory_space<vmem>> -> memref<128xi32, #tpu.memory_space<vmem>>
    %dma_start3A_37 = arith.constant 0 : i32
    %dma_start3A_38 = arith.constant 0 : i32
    %dma_start3A_39 = tpu.memref_slice %arg4[%dma_start3A_37, %dma_start3A_38] : memref<1000000x128xf32, #tpu.memory_space<hbm>> -> memref<1000000x128xf32, #tpu.memory_space<hbm>>
    tpu.enqueue_indirect_dma source(%dma_start3A_39 : memref<1000000x128xf32, #tpu.memory_space<hbm>>) target(%dma_start3A_33 : memref<128x128xf32, #tpu.memory_space<vmem>>) offsets(%dma_start3A_36 : memref<128xi32, #tpu.memory_space<vmem>>) semaphore(%arg16 : memref<!tpu.dma_semaphore, #tpu.memory_space<semaphore_mem>>)
    %dma_start3A_40 = arith.constant 0 : i32
    %dma_start3A_41 = arith.constant 0 : i32
    %dma_start3A_42 = arith.constant 0 : i32
    %dma_start3A_43 = arith.constant 0 : i32
    %dma_start3A_44 = tpu.memref_slice %arg12[%dma_start3A_41, %dma_start3A_42, %dma_start3A_43] : memref<2x128x128xf32, #tpu.memory_space<vmem>> -> memref<1x128x128xf32, #tpu.memory_space<vmem>>
    %dma_start3A_45 = tpu.memref_squeeze %dma_start3A_44 : memref<1x128x128xf32, #tpu.memory_space<vmem>> -> memref<128x128xf32, #tpu.memory_space<vmem>>
    %dma_start3A_46 = arith.constant 0 : i32
    %dma_start3A_47 = tpu.memref_slice %arg10[%dma_start3A_40, %dma_start3A_46] : memref<4x128xi32, #tpu.memory_space<vmem>> -> memref<1x128xi32, #tpu.memory_space<vmem>>
    %dma_start3A_48 = tpu.memref_squeeze %dma_start3A_47 : memref<1x128xi32, #tpu.memory_space<vmem>> -> memref<128xi32, #tpu.memory_space<vmem>>
    %dma_start3A_49 = arith.constant 0 : i32
    %dma_start3A_50 = arith.constant 0 : i32
    %dma_start3A_51 = tpu.memref_slice %arg5[%dma_start3A_49, %dma_start3A_50] : memref<1000000x128xf32, #tpu.memory_space<hbm>> -> memref<1000000x128xf32, #tpu.memory_space<hbm>>
    tpu.enqueue_indirect_dma source(%dma_start3A_51 : memref<1000000x128xf32, #tpu.memory_space<hbm>>) target(%dma_start3A_45 : memref<128x128xf32, #tpu.memory_space<vmem>>) offsets(%dma_start3A_48 : memref<128xi32, #tpu.memory_space<vmem>>) semaphore(%arg16 : memref<!tpu.dma_semaphore, #tpu.memory_space<semaphore_mem>>)
    %dma_start3A_52 = arith.constant 1 : i32
    %dma_start3A_53 = arith.constant 1 : i32
    %dma_start3A_54 = arith.constant 0 : i32
    %dma_start3A_55 = arith.constant 0 : i32
    %dma_start3A_56 = tpu.memref_slice %arg11[%dma_start3A_53, %dma_start3A_54, %dma_start3A_55] : memref<2x128x128xf32, #tpu.memory_space<vmem>> -> memref<1x128x128xf32, #tpu.memory_space<vmem>>
    %dma_start3A_57 = tpu.memref_squeeze %dma_start3A_56 : memref<1x128x128xf32, #tpu.memory_space<vmem>> -> memref<128x128xf32, #tpu.memory_space<vmem>>
    %dma_start3A_58 = arith.constant 0 : i32
    %dma_start3A_59 = tpu.memref_slice %arg9[%dma_start3A_52, %dma_start3A_58] : memref<4x128xi32, #tpu.memory_space<vmem>> -> memref<1x128xi32, #tpu.memory_space<vmem>>
    %dma_start3A_60 = tpu.memref_squeeze %dma_start3A_59 : memref<1x128xi32, #tpu.memory_space<vmem>> -> memref<128xi32, #tpu.memory_space<vmem>>
    %dma_start3A_61 = arith.constant 0 : i32
    %dma_start3A_62 = arith.constant 0 : i32
    %dma_start3A_63 = tpu.memref_slice %arg4[%dma_start3A_61, %dma_start3A_62] : memref<1000000x128xf32, #tpu.memory_space<hbm>> -> memref<1000000x128xf32, #tpu.memory_space<hbm>>
    tpu.enqueue_indirect_dma source(%dma_start3A_63 : memref<1000000x128xf32, #tpu.memory_space<hbm>>) target(%dma_start3A_57 : memref<128x128xf32, #tpu.memory_space<vmem>>) offsets(%dma_start3A_60 : memref<128xi32, #tpu.memory_space<vmem>>) semaphore(%arg17 : memref<!tpu.dma_semaphore, #tpu.memory_space<semaphore_mem>>)
    %dma_start3A_64 = arith.constant 1 : i32
    %dma_start3A_65 = arith.constant 1 : i32
    %dma_start3A_66 = arith.constant 0 : i32
    %dma_start3A_67 = arith.constant 0 : i32
    %dma_start3A_68 = tpu.memref_slice %arg12[%dma_start3A_65, %dma_start3A_66, %dma_start3A_67] : memref<2x128x128xf32, #tpu.memory_space<vmem>> -> memref<1x128x128xf32, #tpu.memory_space<vmem>>
    %dma_start3A_69 = tpu.memref_squeeze %dma_start3A_68 : memref<1x128x128xf32, #tpu.memory_space<vmem>> -> memref<128x128xf32, #tpu.memory_space<vmem>>
    %dma_start3A_70 = arith.constant 0 : i32
    %dma_start3A_71 = tpu.memref_slice %arg10[%dma_start3A_64, %dma_start3A_70] : memref<4x128xi32, #tpu.memory_space<vmem>> -> memref<1x128xi32, #tpu.memory_space<vmem>>
    %dma_start3A_72 = tpu.memref_squeeze %dma_start3A_71 : memref<1x128xi32, #tpu.memory_space<vmem>> -> memref<128xi32, #tpu.memory_space<vmem>>
    %dma_start3A_73 = arith.constant 0 : i32
    %dma_start3A_74 = arith.constant 0 : i32
    %dma_start3A_75 = tpu.memref_slice %arg5[%dma_start3A_73, %dma_start3A_74] : memref<1000000x128xf32, #tpu.memory_space<hbm>> -> memref<1000000x128xf32, #tpu.memory_space<hbm>>
    tpu.enqueue_indirect_dma source(%dma_start3A_75 : memref<1000000x128xf32, #tpu.memory_space<hbm>>) target(%dma_start3A_69 : memref<128x128xf32, #tpu.memory_space<vmem>>) offsets(%dma_start3A_72 : memref<128xi32, #tpu.memory_space<vmem>>) semaphore(%arg17 : memref<!tpu.dma_semaphore, #tpu.memory_space<semaphore_mem>>)
    %scan3A = arith.constant 0 : i32
    %scan3A_76 = arith.constant 2 : i32
    %scan3A_77 = arith.addi %scan3A, %scan3A_76 : i32
    %scan3A_78 = arith.constant 1 : i32
    scf.for %scan3A_89 = %scan3A to %scan3A_77 step %scan3A_78  : i32 {
      %mul3A_90 = arith.constant 1 : i32
      %mul3A_91 = arith.muli %scan3A_89, %mul3A_90 : i32
      %add3A_92 = arith.constant 0 : i32
      %add3A_93 = arith.addi %add3A_92, %mul3A_91 : i32
      %mul3A_94 = arith.constant 2 : i32
      %mul3A_95 = arith.muli %add3A_93, %mul3A_94 : i32
      %add3A_96 = arith.constant 0 : i32
      %add3A_97 = arith.addi %mul3A_95, %add3A_96 : i32
      %dma_wait3A = arith.constant 0 : i32
      %dma_wait3A_98 = arith.constant 0 : i32
      %dma_wait3A_99 = arith.constant 0 : i32
      %dma_wait3A_100 = arith.constant 0 : i32
      %dma_wait3A_101 = tpu.memref_slice %arg11[%dma_wait3A_98, %dma_wait3A_99, %dma_wait3A_100] : memref<2x128x128xf32, #tpu.memory_space<vmem>> -> memref<1x128x128xf32, #tpu.memory_space<vmem>>
      %dma_wait3A_102 = tpu.memref_squeeze %dma_wait3A_101 : memref<1x128x128xf32, #tpu.memory_space<vmem>> -> memref<128x128xf32, #tpu.memory_space<vmem>>
      %dma_wait3A_103 = arith.constant 0 : i32
      %dma_wait3A_104 = tpu.memref_slice %arg9[%dma_wait3A, %dma_wait3A_103] : memref<4x128xi32, #tpu.memory_space<vmem>> -> memref<1x128xi32, #tpu.memory_space<vmem>>
      %dma_wait3A_105 = tpu.memref_squeeze %dma_wait3A_104 : memref<1x128xi32, #tpu.memory_space<vmem>> -> memref<128xi32, #tpu.memory_space<vmem>>
      %dma_wait3A_106 = arith.constant 0 : i32
      %dma_wait3A_107 = arith.constant 0 : i32
      %dma_wait3A_108 = tpu.memref_slice %arg4[%dma_wait3A_106, %dma_wait3A_107] : memref<1000000x128xf32, #tpu.memory_space<hbm>> -> memref<1000000x128xf32, #tpu.memory_space<hbm>>
      tpu.wait_indirect_dma semaphore(%arg16 : memref<!tpu.dma_semaphore, #tpu.memory_space<semaphore_mem>>) src(%dma_wait3A_108 : memref<1000000x128xf32, #tpu.memory_space<hbm>>) dst(%dma_wait3A_102 : memref<128x128xf32, #tpu.memory_space<vmem>>)
      %dma_wait3A_109 = arith.constant 0 : i32
      %dma_wait3A_110 = arith.constant 0 : i32
      %dma_wait3A_111 = arith.constant 0 : i32
      %dma_wait3A_112 = arith.constant 0 : i32
      %dma_wait3A_113 = tpu.memref_slice %arg12[%dma_wait3A_110, %dma_wait3A_111, %dma_wait3A_112] : memref<2x128x128xf32, #tpu.memory_space<vmem>> -> memref<1x128x128xf32, #tpu.memory_space<vmem>>
      %dma_wait3A_114 = tpu.memref_squeeze %dma_wait3A_113 : memref<1x128x128xf32, #tpu.memory_space<vmem>> -> memref<128x128xf32, #tpu.memory_space<vmem>>
      %dma_wait3A_115 = arith.constant 0 : i32
      %dma_wait3A_116 = tpu.memref_slice %arg10[%dma_wait3A_109, %dma_wait3A_115] : memref<4x128xi32, #tpu.memory_space<vmem>> -> memref<1x128xi32, #tpu.memory_space<vmem>>
      %dma_wait3A_117 = tpu.memref_squeeze %dma_wait3A_116 : memref<1x128xi32, #tpu.memory_space<vmem>> -> memref<128xi32, #tpu.memory_space<vmem>>
      %dma_wait3A_118 = arith.constant 0 : i32
      %dma_wait3A_119 = arith.constant 0 : i32
      %dma_wait3A_120 = tpu.memref_slice %arg5[%dma_wait3A_118, %dma_wait3A_119] : memref<1000000x128xf32, #tpu.memory_space<hbm>> -> memref<1000000x128xf32, #tpu.memory_space<hbm>>
      tpu.wait_indirect_dma semaphore(%arg16 : memref<!tpu.dma_semaphore, #tpu.memory_space<semaphore_mem>>) src(%dma_wait3A_120 : memref<1000000x128xf32, #tpu.memory_space<hbm>>) dst(%dma_wait3A_114 : memref<128x128xf32, #tpu.memory_space<vmem>>)
      %parallel_loop3A = arith.constant 0 : i32
      %parallel_loop3A_121 = arith.constant 128 : i32
      %parallel_loop3A_122 = arith.constant 1 : i32
      %parallel_loop3A_123 = arith.constant 0 : i32
      %parallel_loop3A_124 = arith.constant 0 : i32
      scf.for %parallel_loop3A_169 = %parallel_loop3A to %parallel_loop3A_121 step %parallel_loop3A_122  : i32 {
        %parallel_loop3A_170 = arith.constant 0 : i32
        %parallel_loop3A_171 = arith.constant 0 : i32
        %parallel_loop3A_172 = tpu.memref_slice %arg11[%parallel_loop3A_123, %parallel_loop3A_170, %parallel_loop3A_171] : memref<2x128x128xf32, #tpu.memory_space<vmem>> -> memref<1x128x128xf32, #tpu.memory_space<vmem>>
        %parallel_loop3A_173 = tpu.memref_squeeze %parallel_loop3A_172 : memref<1x128x128xf32, #tpu.memory_space<vmem>> -> memref<128x128xf32, #tpu.memory_space<vmem>>
        %parallel_loop3A_174 = arith.index_cast %parallel_loop3A_169 : i32 to index
        %parallel_loop3A_175 = arith.constant 0 : index
        %parallel_loop3A_176 = tpu.vector_load %parallel_loop3A_173[%parallel_loop3A_174, %parallel_loop3A_175] {strides = array<i32>} : memref<128x128xf32, #tpu.memory_space<vmem>>, vector<16xf32>,
        %parallel_loop3A_177 = arith.constant 0 : i32
        %parallel_loop3A_178 = arith.constant 0 : i32
        %parallel_loop3A_179 = tpu.memref_slice %arg12[%parallel_loop3A_124, %parallel_loop3A_177, %parallel_loop3A_178] : memref<2x128x128xf32, #tpu.memory_space<vmem>> -> memref<1x128x128xf32, #tpu.memory_space<vmem>>
        %parallel_loop3A_180 = tpu.memref_squeeze %parallel_loop3A_179 : memref<1x128x128xf32, #tpu.memory_space<vmem>> -> memref<128x128xf32, #tpu.memory_space<vmem>>
        %parallel_loop3A_181 = arith.index_cast %parallel_loop3A_169 : i32 to index
        %parallel_loop3A_182 = arith.constant 0 : index
        %parallel_loop3A_183 = tpu.vector_load %parallel_loop3A_180[%parallel_loop3A_181, %parallel_loop3A_182] {strides = array<i32>} : memref<128x128xf32, #tpu.memory_space<vmem>>, vector<16xf32>,
        %parallel_loop3A_184 = arith.mulf %parallel_loop3A_176, %parallel_loop3A_183 : vector<16xf32>
        %parallel_loop3A_185 = arith.mulf %parallel_loop3A_184, %get3A_1 : vector<16xf32>
        %parallel_loop3A_186 = arith.constant 0 : i32
        %parallel_loop3A_187 = arith.constant 0 : i32
        %parallel_loop3A_188 = tpu.memref_slice %arg11[%parallel_loop3A_123, %parallel_loop3A_186, %parallel_loop3A_187] : memref<2x128x128xf32, #tpu.memory_space<vmem>> -> memref<1x128x128xf32, #tpu.memory_space<vmem>>
        %parallel_loop3A_189 = tpu.memref_squeeze %parallel_loop3A_188 : memref<1x128x128xf32, #tpu.memory_space<vmem>> -> memref<128x128xf32, #tpu.memory_space<vmem>>
        %parallel_loop3A_190 = arith.index_cast %parallel_loop3A_169 : i32 to index
        %parallel_loop3A_191 = arith.constant 16 : index
        %parallel_loop3A_192 = tpu.vector_load %parallel_loop3A_189[%parallel_loop3A_190, %parallel_loop3A_191] {strides = array<i32>} : memref<128x128xf32, #tpu.memory_space<vmem>>, vector<16xf32>,
        %parallel_loop3A_193 = arith.constant 0 : i32
        %parallel_loop3A_194 = arith.constant 0 : i32
        %parallel_loop3A_195 = tpu.memref_slice %arg12[%parallel_loop3A_124, %parallel_loop3A_193, %parallel_loop3A_194] : memref<2x128x128xf32, #tpu.memory_space<vmem>> -> memref<1x128x128xf32, #tpu.memory_space<vmem>>
        %parallel_loop3A_196 = tpu.memref_squeeze %parallel_loop3A_195 : memref<1x128x128xf32, #tpu.memory_space<vmem>> -> memref<128x128xf32, #tpu.memory_space<vmem>>
        %parallel_loop3A_197 = arith.index_cast %parallel_loop3A_169 : i32 to index
        %parallel_loop3A_198 = arith.constant 16 : index
        %parallel_loop3A_199 = tpu.vector_load %parallel_loop3A_196[%parallel_loop3A_197, %parallel_loop3A_198] {strides = array<i32>} : memref<128x128xf32, #tpu.memory_space<vmem>>, vector<16xf32>,
        %parallel_loop3A_200 = arith.mulf %parallel_loop3A_192, %parallel_loop3A_199 : vector<16xf32>
        %parallel_loop3A_201 = arith.mulf %parallel_loop3A_200, %get3A_3 : vector<16xf32>
        %parallel_loop3A_202 = arith.addf %parallel_loop3A_185, %parallel_loop3A_201 : vector<16xf32>
        %parallel_loop3A_203 = arith.constant 0 : i32
        %parallel_loop3A_204 = arith.constant 0 : i32
        %parallel_loop3A_205 = tpu.memref_slice %arg11[%parallel_loop3A_123, %parallel_loop3A_203, %parallel_loop3A_204] : memref<2x128x128xf32, #tpu.memory_space<vmem>> -> memref<1x128x128xf32, #tpu.memory_space<vmem>>
        %parallel_loop3A_206 = tpu.memref_squeeze %parallel_loop3A_205 : memref<1x128x128xf32, #tpu.memory_space<vmem>> -> memref<128x128xf32, #tpu.memory_space<vmem>>
        %parallel_loop3A_207 = arith.index_cast %parallel_loop3A_169 : i32 to index
        %parallel_loop3A_208 = arith.constant 32 : index
        %parallel_loop3A_209 = tpu.vector_load %parallel_loop3A_206[%parallel_loop3A_207, %parallel_loop3A_208] {strides = array<i32>} : memref<128x128xf32, #tpu.memory_space<vmem>>, vector<16xf32>,
        %parallel_loop3A_210 = arith.constant 0 : i32
        %parallel_loop3A_211 = arith.constant 0 : i32
        %parallel_loop3A_212 = tpu.memref_slice %arg12[%parallel_loop3A_124, %parallel_loop3A_210, %parallel_loop3A_211] : memref<2x128x128xf32, #tpu.memory_space<vmem>> -> memref<1x128x128xf32, #tpu.memory_space<vmem>>
        %parallel_loop3A_213 = tpu.memref_squeeze %parallel_loop3A_212 : memref<1x128x128xf32, #tpu.memory_space<vmem>> -> memref<128x128xf32, #tpu.memory_space<vmem>>
        %parallel_loop3A_214 = arith.index_cast %parallel_loop3A_169 : i32 to index
        %parallel_loop3A_215 = arith.constant 32 : index
        %parallel_loop3A_216 = tpu.vector_load %parallel_loop3A_213[%parallel_loop3A_214, %parallel_loop3A_215] {strides = array<i32>} : memref<128x128xf32, #tpu.memory_space<vmem>>, vector<16xf32>,
        %parallel_loop3A_217 = arith.mulf %parallel_loop3A_209, %parallel_loop3A_216 : vector<16xf32>
        %parallel_loop3A_218 = arith.mulf %parallel_loop3A_217, %get3A_5 : vector<16xf32>
        %parallel_loop3A_219 = arith.addf %parallel_loop3A_202, %parallel_loop3A_218 : vector<16xf32>
        %parallel_loop3A_220 = arith.constant 0 : i32
        %parallel_loop3A_221 = arith.constant 0 : i32
        %parallel_loop3A_222 = tpu.memref_slice %arg11[%parallel_loop3A_123, %parallel_loop3A_220, %parallel_loop3A_221] : memref<2x128x128xf32, #tpu.memory_space<vmem>> -> memref<1x128x128xf32, #tpu.memory_space<vmem>>
        %parallel_loop3A_223 = tpu.memref_squeeze %parallel_loop3A_222 : memref<1x128x128xf32, #tpu.memory_space<vmem>> -> memref<128x128xf32, #tpu.memory_space<vmem>>
        %parallel_loop3A_224 = arith.index_cast %parallel_loop3A_169 : i32 to index
        %parallel_loop3A_225 = arith.constant 48 : index
        %parallel_loop3A_226 = tpu.vector_load %parallel_loop3A_223[%parallel_loop3A_224, %parallel_loop3A_225] {strides = array<i32>} : memref<128x128xf32, #tpu.memory_space<vmem>>, vector<16xf32>,
        %parallel_loop3A_227 = arith.constant 0 : i32
        %parallel_loop3A_228 = arith.constant 0 : i32
        %parallel_loop3A_229 = tpu.memref_slice %arg12[%parallel_loop3A_124, %parallel_loop3A_227, %parallel_loop3A_228] : memref<2x128x128xf32, #tpu.memory_space<vmem>> -> memref<1x128x128xf32, #tpu.memory_space<vmem>>
        %parallel_loop3A_230 = tpu.memref_squeeze %parallel_loop3A_229 : memref<1x128x128xf32, #tpu.memory_space<vmem>> -> memref<128x128xf32, #tpu.memory_space<vmem>>
        %parallel_loop3A_231 = arith.index_cast %parallel_loop3A_169 : i32 to index
        %parallel_loop3A_232 = arith.constant 48 : index
        %parallel_loop3A_233 = tpu.vector_load %parallel_loop3A_230[%parallel_loop3A_231, %parallel_loop3A_232] {strides = array<i32>} : memref<128x128xf32, #tpu.memory_space<vmem>>, vector<16xf32>,
        %parallel_loop3A_234 = arith.mulf %parallel_loop3A_226, %parallel_loop3A_233 : vector<16xf32>
        %parallel_loop3A_235 = arith.mulf %parallel_loop3A_234, %get3A_7 : vector<16xf32>
        %parallel_loop3A_236 = arith.addf %parallel_loop3A_219, %parallel_loop3A_235 : vector<16xf32>
        %parallel_loop3A_237 = arith.constant 0 : i32
        %parallel_loop3A_238 = arith.constant 0 : i32
        %parallel_loop3A_239 = tpu.memref_slice %arg11[%parallel_loop3A_123, %parallel_loop3A_237, %parallel_loop3A_238] : memref<2x128x128xf32, #tpu.memory_space<vmem>> -> memref<1x128x128xf32, #tpu.memory_space<vmem>>
        %parallel_loop3A_240 = tpu.memref_squeeze %parallel_loop3A_239 : memref<1x128x128xf32, #tpu.memory_space<vmem>> -> memref<128x128xf32, #tpu.memory_space<vmem>>
        %parallel_loop3A_241 = arith.index_cast %parallel_loop3A_169 : i32 to index
        %parallel_loop3A_242 = arith.constant 64 : index
        %parallel_loop3A_243 = tpu.vector_load %parallel_loop3A_240[%parallel_loop3A_241, %parallel_loop3A_242] {strides = array<i32>} : memref<128x128xf32, #tpu.memory_space<vmem>>, vector<16xf32>,
        %parallel_loop3A_244 = arith.constant 0 : i32
        %parallel_loop3A_245 = arith.constant 0 : i32
        %parallel_loop3A_246 = tpu.memref_slice %arg12[%parallel_loop3A_124, %parallel_loop3A_244, %parallel_loop3A_245] : memref<2x128x128xf32, #tpu.memory_space<vmem>> -> memref<1x128x128xf32, #tpu.memory_space<vmem>>
        %parallel_loop3A_247 = tpu.memref_squeeze %parallel_loop3A_246 : memref<1x128x128xf32, #tpu.memory_space<vmem>> -> memref<128x128xf32, #tpu.memory_space<vmem>>
        %parallel_loop3A_248 = arith.index_cast %parallel_loop3A_169 : i32 to index
        %parallel_loop3A_249 = arith.constant 64 : index
        %parallel_loop3A_250 = tpu.vector_load %parallel_loop3A_247[%parallel_loop3A_248, %parallel_loop3A_249] {strides = array<i32>} : memref<128x128xf32, #tpu.memory_space<vmem>>, vector<16xf32>,
        %parallel_loop3A_251 = arith.mulf %parallel_loop3A_243, %parallel_loop3A_250 : vector<16xf32>
        %parallel_loop3A_252 = arith.mulf %parallel_loop3A_251, %get3A_9 : vector<16xf32>
        %parallel_loop3A_253 = arith.addf %parallel_loop3A_236, %parallel_loop3A_252 : vector<16xf32>
        %parallel_loop3A_254 = arith.constant 0 : i32
        %parallel_loop3A_255 = arith.constant 0 : i32
        %parallel_loop3A_256 = tpu.memref_slice %arg11[%parallel_loop3A_123, %parallel_loop3A_254, %parallel_loop3A_255] : memref<2x128x128xf32, #tpu.memory_space<vmem>> -> memref<1x128x128xf32, #tpu.memory_space<vmem>>
        %parallel_loop3A_257 = tpu.memref_squeeze %parallel_loop3A_256 : memref<1x128x128xf32, #tpu.memory_space<vmem>> -> memref<128x128xf32, #tpu.memory_space<vmem>>
        %parallel_loop3A_258 = arith.index_cast %parallel_loop3A_169 : i32 to index
        %parallel_loop3A_259 = arith.constant 80 : index
        %parallel_loop3A_260 = tpu.vector_load %parallel_loop3A_257[%parallel_loop3A_258, %parallel_loop3A_259] {strides = array<i32>} : memref<128x128xf32, #tpu.memory_space<vmem>>, vector<16xf32>,
        %parallel_loop3A_261 = arith.constant 0 : i32
        %parallel_loop3A_262 = arith.constant 0 : i32
        %parallel_loop3A_263 = tpu.memref_slice %arg12[%parallel_loop3A_124, %parallel_loop3A_261, %parallel_loop3A_262] : memref<2x128x128xf32, #tpu.memory_space<vmem>> -> memref<1x128x128xf32, #tpu.memory_space<vmem>>
        %parallel_loop3A_264 = tpu.memref_squeeze %parallel_loop3A_263 : memref<1x128x128xf32, #tpu.memory_space<vmem>> -> memref<128x128xf32, #tpu.memory_space<vmem>>
        %parallel_loop3A_265 = arith.index_cast %parallel_loop3A_169 : i32 to index
        %parallel_loop3A_266 = arith.constant 80 : index
        %parallel_loop3A_267 = tpu.vector_load %parallel_loop3A_264[%parallel_loop3A_265, %parallel_loop3A_266] {strides = array<i32>} : memref<128x128xf32, #tpu.memory_space<vmem>>, vector<16xf32>,
        %parallel_loop3A_268 = arith.mulf %parallel_loop3A_260, %parallel_loop3A_267 : vector<16xf32>
        %parallel_loop3A_269 = arith.mulf %parallel_loop3A_268, %get3A_11 : vector<16xf32>
        %parallel_loop3A_270 = arith.addf %parallel_loop3A_253, %parallel_loop3A_269 : vector<16xf32>
        %parallel_loop3A_271 = arith.constant 0 : i32
        %parallel_loop3A_272 = arith.constant 0 : i32
        %parallel_loop3A_273 = tpu.memref_slice %arg11[%parallel_loop3A_123, %parallel_loop3A_271, %parallel_loop3A_272] : memref<2x128x128xf32, #tpu.memory_space<vmem>> -> memref<1x128x128xf32, #tpu.memory_space<vmem>>
        %parallel_loop3A_274 = tpu.memref_squeeze %parallel_loop3A_273 : memref<1x128x128xf32, #tpu.memory_space<vmem>> -> memref<128x128xf32, #tpu.memory_space<vmem>>
        %parallel_loop3A_275 = arith.index_cast %parallel_loop3A_169 : i32 to index
        %parallel_loop3A_276 = arith.constant 96 : index
        %parallel_loop3A_277 = tpu.vector_load %parallel_loop3A_274[%parallel_loop3A_275, %parallel_loop3A_276] {strides = array<i32>} : memref<128x128xf32, #tpu.memory_space<vmem>>, vector<16xf32>,
        %parallel_loop3A_278 = arith.constant 0 : i32
        %parallel_loop3A_279 = arith.constant 0 : i32
        %parallel_loop3A_280 = tpu.memref_slice %arg12[%parallel_loop3A_124, %parallel_loop3A_278, %parallel_loop3A_279] : memref<2x128x128xf32, #tpu.memory_space<vmem>> -> memref<1x128x128xf32, #tpu.memory_space<vmem>>
        %parallel_loop3A_281 = tpu.memref_squeeze %parallel_loop3A_280 : memref<1x128x128xf32, #tpu.memory_space<vmem>> -> memref<128x128xf32, #tpu.memory_space<vmem>>
        %parallel_loop3A_282 = arith.index_cast %parallel_loop3A_169 : i32 to index
        %parallel_loop3A_283 = arith.constant 96 : index
        %parallel_loop3A_284 = tpu.vector_load %parallel_loop3A_281[%parallel_loop3A_282, %parallel_loop3A_283] {strides = array<i32>} : memref<128x128xf32, #tpu.memory_space<vmem>>, vector<16xf32>,
        %parallel_loop3A_285 = arith.mulf %parallel_loop3A_277, %parallel_loop3A_284 : vector<16xf32>
        %parallel_loop3A_286 = arith.mulf %parallel_loop3A_285, %get3A_13 : vector<16xf32>
        %parallel_loop3A_287 = arith.addf %parallel_loop3A_270, %parallel_loop3A_286 : vector<16xf32>
        %parallel_loop3A_288 = arith.constant 0 : i32
        %parallel_loop3A_289 = arith.constant 0 : i32
        %parallel_loop3A_290 = tpu.memref_slice %arg11[%parallel_loop3A_123, %parallel_loop3A_288, %parallel_loop3A_289] : memref<2x128x128xf32, #tpu.memory_space<vmem>> -> memref<1x128x128xf32, #tpu.memory_space<vmem>>
        %parallel_loop3A_291 = tpu.memref_squeeze %parallel_loop3A_290 : memref<1x128x128xf32, #tpu.memory_space<vmem>> -> memref<128x128xf32, #tpu.memory_space<vmem>>
        %parallel_loop3A_292 = arith.index_cast %parallel_loop3A_169 : i32 to index
        %parallel_loop3A_293 = arith.constant 112 : index
        %parallel_loop3A_294 = tpu.vector_load %parallel_loop3A_291[%parallel_loop3A_292, %parallel_loop3A_293] {strides = array<i32>} : memref<128x128xf32, #tpu.memory_space<vmem>>, vector<16xf32>,
        %parallel_loop3A_295 = arith.constant 0 : i32
        %parallel_loop3A_296 = arith.constant 0 : i32
        %parallel_loop3A_297 = tpu.memref_slice %arg12[%parallel_loop3A_124, %parallel_loop3A_295, %parallel_loop3A_296] : memref<2x128x128xf32, #tpu.memory_space<vmem>> -> memref<1x128x128xf32, #tpu.memory_space<vmem>>
        %parallel_loop3A_298 = tpu.memref_squeeze %parallel_loop3A_297 : memref<1x128x128xf32, #tpu.memory_space<vmem>> -> memref<128x128xf32, #tpu.memory_space<vmem>>
        %parallel_loop3A_299 = arith.index_cast %parallel_loop3A_169 : i32 to index
        %parallel_loop3A_300 = arith.constant 112 : index
        %parallel_loop3A_301 = tpu.vector_load %parallel_loop3A_298[%parallel_loop3A_299, %parallel_loop3A_300] {strides = array<i32>} : memref<128x128xf32, #tpu.memory_space<vmem>>, vector<16xf32>,
        %parallel_loop3A_302 = arith.mulf %parallel_loop3A_294, %parallel_loop3A_301 : vector<16xf32>
        %parallel_loop3A_303 = arith.mulf %parallel_loop3A_302, %get3A_15 : vector<16xf32>
        %parallel_loop3A_304 = arith.addf %parallel_loop3A_287, %parallel_loop3A_303 : vector<16xf32>
        %parallel_loop3A_305 = arith.constant 0 : i32
        %parallel_loop3A_306 = vector.broadcast %parallel_loop3A_305 : i32 to vector<16xi32>
        %parallel_loop3A_307 = arith.cmpi slt, %xor3A_19, %parallel_loop3A_306 : vector<16xi32>
        %parallel_loop3A_308 = arith.constant 16 : i32
        %parallel_loop3A_309 = vector.broadcast %parallel_loop3A_308 : i32 to vector<16xi32>
        %parallel_loop3A_310 = arith.addi %xor3A_19, %parallel_loop3A_309 : vector<16xi32>
        %parallel_loop3A_311 = arith.select %parallel_loop3A_307, %parallel_loop3A_310, %xor3A_19 : vector<16xi1>, vector<16xi32>
        %parallel_loop3A_312 = vector.shape_cast %parallel_loop3A_311 : vector<16xi32> to vector<16x1xi32>
        %parallel_loop3A_313 = vector.shape_cast %parallel_loop3A_312 : vector<16x1xi32> to vector<16xi32>
        %parallel_loop3A_314 = tpu.dynamic_gather %parallel_loop3A_304[%parallel_loop3A_313] in [0] : vector<16xf32>, vector<16xi32> -> vector<16xf32>
        %parallel_loop3A_315 = arith.addf %parallel_loop3A_304, %parallel_loop3A_314 : vector<16xf32>
        %parallel_loop3A_316 = arith.constant 0 : i32
        %parallel_loop3A_317 = vector.broadcast %parallel_loop3A_316 : i32 to vector<16xi32>
        %parallel_loop3A_318 = arith.cmpi slt, %xor3A_22, %parallel_loop3A_317 : vector<16xi32>
        %parallel_loop3A_319 = arith.constant 16 : i32
        %parallel_loop3A_320 = vector.broadcast %parallel_loop3A_319 : i32 to vector<16xi32>
        %parallel_loop3A_321 = arith.addi %xor3A_22, %parallel_loop3A_320 : vector<16xi32>
        %parallel_loop3A_322 = arith.select %parallel_loop3A_318, %parallel_loop3A_321, %xor3A_22 : vector<16xi1>, vector<16xi32>
        %parallel_loop3A_323 = vector.shape_cast %parallel_loop3A_322 : vector<16xi32> to vector<16x1xi32>
        %parallel_loop3A_324 = vector.shape_cast %parallel_loop3A_323 : vector<16x1xi32> to vector<16xi32>
        %parallel_loop3A_325 = tpu.dynamic_gather %parallel_loop3A_315[%parallel_loop3A_324] in [0] : vector<16xf32>, vector<16xi32> -> vector<16xf32>
        %parallel_loop3A_326 = arith.addf %parallel_loop3A_315, %parallel_loop3A_325 : vector<16xf32>
        %parallel_loop3A_327 = arith.constant 0 : i32
        %parallel_loop3A_328 = vector.broadcast %parallel_loop3A_327 : i32 to vector<16xi32>
        %parallel_loop3A_329 = arith.cmpi slt, %xor3A_25, %parallel_loop3A_328 : vector<16xi32>
        %parallel_loop3A_330 = arith.constant 16 : i32
        %parallel_loop3A_331 = vector.broadcast %parallel_loop3A_330 : i32 to vector<16xi32>
        %parallel_loop3A_332 = arith.addi %xor3A_25, %parallel_loop3A_331 : vector<16xi32>
        %parallel_loop3A_333 = arith.select %parallel_loop3A_329, %parallel_loop3A_332, %xor3A_25 : vector<16xi1>, vector<16xi32>
        %parallel_loop3A_334 = vector.shape_cast %parallel_loop3A_333 : vector<16xi32> to vector<16x1xi32>
        %parallel_loop3A_335 = vector.shape_cast %parallel_loop3A_334 : vector<16x1xi32> to vector<16xi32>
        %parallel_loop3A_336 = tpu.dynamic_gather %parallel_loop3A_326[%parallel_loop3A_335] in [0] : vector<16xf32>, vector<16xi32> -> vector<16xf32>
        %parallel_loop3A_337 = arith.addf %parallel_loop3A_326, %parallel_loop3A_336 : vector<16xf32>
        %parallel_loop3A_338 = arith.constant 0 : i32
        %parallel_loop3A_339 = vector.broadcast %parallel_loop3A_338 : i32 to vector<16xi32>
        %parallel_loop3A_340 = arith.cmpi slt, %xor3A_28, %parallel_loop3A_339 : vector<16xi32>
        %parallel_loop3A_341 = arith.constant 16 : i32
        %parallel_loop3A_342 = vector.broadcast %parallel_loop3A_341 : i32 to vector<16xi32>
        %parallel_loop3A_343 = arith.addi %xor3A_28, %parallel_loop3A_342 : vector<16xi32>
        %parallel_loop3A_344 = arith.select %parallel_loop3A_340, %parallel_loop3A_343, %xor3A_28 : vector<16xi1>, vector<16xi32>
        %parallel_loop3A_345 = vector.shape_cast %parallel_loop3A_344 : vector<16xi32> to vector<16x1xi32>
        %parallel_loop3A_346 = vector.shape_cast %parallel_loop3A_345 : vector<16x1xi32> to vector<16xi32>
        %parallel_loop3A_347 = tpu.dynamic_gather %parallel_loop3A_337[%parallel_loop3A_346] in [0] : vector<16xf32>, vector<16xi32> -> vector<16xf32>
        %parallel_loop3A_348 = arith.addf %parallel_loop3A_337, %parallel_loop3A_347 : vector<16xf32>
        %parallel_loop3A_349 = arith.constant 128 : i32
        %parallel_loop3A_350 = arith.muli %add3A_97, %parallel_loop3A_349 : i32
        %parallel_loop3A_351 = arith.addi %parallel_loop3A_350, %parallel_loop3A_169 : i32
        %parallel_loop3A_352 = vector.broadcast %parallel_loop3A_351 : i32 to vector<16xi32>
        tpu.vector_store_idx %arg15[%parallel_loop3A_352], %parallel_loop3A_348 masked %eq3A_17 : memref<512xf32, #tpu.memory_space<vmem>>[vector<16xi32>], vector<16xf32>, vector<16xi1>
      } {sc.loop_unroll_factor = 2 : i64, sc.parallel_access}
      %add3A_125 = arith.constant 2 : i32
      %add3A_126 = arith.addi %add3A_97, %add3A_125 : i32
      %lt3A = arith.constant 4 : i32
      %lt3A_127 = arith.cmpi slt, %add3A_126, %lt3A : i32
      %convert_element_type3A = arith.extui %lt3A_127 : i1 to i32
      %cond3A = arith.constant 0 : i32
      %cond3A_128 = arith.cmpi ne, %convert_element_type3A, %cond3A : i32
      scf.if %cond3A_128 {
        %add3A_169 = arith.constant 2 : i32
        %add3A_170 = arith.addi %add3A_97, %add3A_169 : i32
        %dma_start3A_171 = arith.constant 0 : i32
        %dma_start3A_172 = arith.constant 0 : i32
        %dma_start3A_173 = arith.constant 0 : i32
        %dma_start3A_174 = tpu.memref_slice %arg11[%dma_start3A_171, %dma_start3A_172, %dma_start3A_173] : memref<2x128x128xf32, #tpu.memory_space<vmem>> -> memref<1x128x128xf32, #tpu.memory_space<vmem>>
        %dma_start3A_175 = tpu.memref_squeeze %dma_start3A_174 : memref<1x128x128xf32, #tpu.memory_space<vmem>> -> memref<128x128xf32, #tpu.memory_space<vmem>>
        %dma_start3A_176 = arith.constant 0 : i32
        %dma_start3A_177 = tpu.memref_slice %arg9[%add3A_170, %dma_start3A_176] : memref<4x128xi32, #tpu.memory_space<vmem>> -> memref<1x128xi32, #tpu.memory_space<vmem>>
        %dma_start3A_178 = tpu.memref_squeeze %dma_start3A_177 : memref<1x128xi32, #tpu.memory_space<vmem>> -> memref<128xi32, #tpu.memory_space<vmem>>
        %dma_start3A_179 = arith.constant 0 : i32
        %dma_start3A_180 = arith.constant 0 : i32
        %dma_start3A_181 = tpu.memref_slice %arg4[%dma_start3A_179, %dma_start3A_180] : memref<1000000x128xf32, #tpu.memory_space<hbm>> -> memref<1000000x128xf32, #tpu.memory_space<hbm>>
        tpu.enqueue_indirect_dma source(%dma_start3A_181 : memref<1000000x128xf32, #tpu.memory_space<hbm>>) target(%dma_start3A_175 : memref<128x128xf32, #tpu.memory_space<vmem>>) offsets(%dma_start3A_178 : memref<128xi32, #tpu.memory_space<vmem>>) semaphore(%arg16 : memref<!tpu.dma_semaphore, #tpu.memory_space<semaphore_mem>>)
        %dma_start3A_182 = arith.constant 0 : i32
        %dma_start3A_183 = arith.constant 0 : i32
        %dma_start3A_184 = arith.constant 0 : i32
        %dma_start3A_185 = tpu.memref_slice %arg12[%dma_start3A_182, %dma_start3A_183, %dma_start3A_184] : memref<2x128x128xf32, #tpu.memory_space<vmem>> -> memref<1x128x128xf32, #tpu.memory_space<vmem>>
        %dma_start3A_186 = tpu.memref_squeeze %dma_start3A_185 : memref<1x128x128xf32, #tpu.memory_space<vmem>> -> memref<128x128xf32, #tpu.memory_space<vmem>>
        %dma_start3A_187 = arith.constant 0 : i32
        %dma_start3A_188 = tpu.memref_slice %arg10[%add3A_170, %dma_start3A_187] : memref<4x128xi32, #tpu.memory_space<vmem>> -> memref<1x128xi32, #tpu.memory_space<vmem>>
        %dma_start3A_189 = tpu.memref_squeeze %dma_start3A_188 : memref<1x128xi32, #tpu.memory_space<vmem>> -> memref<128xi32, #tpu.memory_space<vmem>>
        %dma_start3A_190 = arith.constant 0 : i32
        %dma_start3A_191 = arith.constant 0 : i32
        %dma_start3A_192 = tpu.memref_slice %arg5[%dma_start3A_190, %dma_start3A_191] : memref<1000000x128xf32, #tpu.memory_space<hbm>> -> memref<1000000x128xf32, #tpu.memory_space<hbm>>
        tpu.enqueue_indirect_dma source(%dma_start3A_192 : memref<1000000x128xf32, #tpu.memory_space<hbm>>) target(%dma_start3A_186 : memref<128x128xf32, #tpu.memory_space<vmem>>) offsets(%dma_start3A_189 : memref<128xi32, #tpu.memory_space<vmem>>) semaphore(%arg16 : memref<!tpu.dma_semaphore, #tpu.memory_space<semaphore_mem>>)
      } else {
      }
      %mul3A_129 = arith.constant 2 : i32
      %mul3A_130 = arith.muli %add3A_93, %mul3A_129 : i32
      %add3A_131 = arith.constant 1 : i32
      %add3A_132 = arith.addi %mul3A_130, %add3A_131 : i32
      %dma_wait3A_133 = arith.constant 0 : i32
      %dma_wait3A_134 = arith.constant 1 : i32
      %dma_wait3A_135 = arith.constant 0 : i32
      %dma_wait3A_136 = arith.constant 0 : i32
      %dma_wait3A_137 = tpu.memref_slice %arg11[%dma_wait3A_134, %dma_wait3A_135, %dma_wait3A_136] : memref<2x128x128xf32, #tpu.memory_space<vmem>> -> memref<1x128x128xf32, #tpu.memory_space<vmem>>
      %dma_wait3A_138 = tpu.memref_squeeze %dma_wait3A_137 : memref<1x128x128xf32, #tpu.memory_space<vmem>> -> memref<128x128xf32, #tpu.memory_space<vmem>>
      %dma_wait3A_139 = arith.constant 0 : i32
      %dma_wait3A_140 = tpu.memref_slice %arg9[%dma_wait3A_133, %dma_wait3A_139] : memref<4x128xi32, #tpu.memory_space<vmem>> -> memref<1x128xi32, #tpu.memory_space<vmem>>
      %dma_wait3A_141 = tpu.memref_squeeze %dma_wait3A_140 : memref<1x128xi32, #tpu.memory_space<vmem>> -> memref<128xi32, #tpu.memory_space<vmem>>
      %dma_wait3A_142 = arith.constant 0 : i32
      %dma_wait3A_143 = arith.constant 0 : i32
      %dma_wait3A_144 = tpu.memref_slice %arg4[%dma_wait3A_142, %dma_wait3A_143] : memref<1000000x128xf32, #tpu.memory_space<hbm>> -> memref<1000000x128xf32, #tpu.memory_space<hbm>>
      tpu.wait_indirect_dma semaphore(%arg17 : memref<!tpu.dma_semaphore, #tpu.memory_space<semaphore_mem>>) src(%dma_wait3A_144 : memref<1000000x128xf32, #tpu.memory_space<hbm>>) dst(%dma_wait3A_138 : memref<128x128xf32, #tpu.memory_space<vmem>>)
      %dma_wait3A_145 = arith.constant 0 : i32
      %dma_wait3A_146 = arith.constant 1 : i32
      %dma_wait3A_147 = arith.constant 0 : i32
      %dma_wait3A_148 = arith.constant 0 : i32
      %dma_wait3A_149 = tpu.memref_slice %arg12[%dma_wait3A_146, %dma_wait3A_147, %dma_wait3A_148] : memref<2x128x128xf32, #tpu.memory_space<vmem>> -> memref<1x128x128xf32, #tpu.memory_space<vmem>>
      %dma_wait3A_150 = tpu.memref_squeeze %dma_wait3A_149 : memref<1x128x128xf32, #tpu.memory_space<vmem>> -> memref<128x128xf32, #tpu.memory_space<vmem>>
      %dma_wait3A_151 = arith.constant 0 : i32
      %dma_wait3A_152 = tpu.memref_slice %arg10[%dma_wait3A_145, %dma_wait3A_151] : memref<4x128xi32, #tpu.memory_space<vmem>> -> memref<1x128xi32, #tpu.memory_space<vmem>>
      %dma_wait3A_153 = tpu.memref_squeeze %dma_wait3A_152 : memref<1x128xi32, #tpu.memory_space<vmem>> -> memref<128xi32, #tpu.memory_space<vmem>>
      %dma_wait3A_154 = arith.constant 0 : i32
      %dma_wait3A_155 = arith.constant 0 : i32
      %dma_wait3A_156 = tpu.memref_slice %arg5[%dma_wait3A_154, %dma_wait3A_155] : memref<1000000x128xf32, #tpu.memory_space<hbm>> -> memref<1000000x128xf32, #tpu.memory_space<hbm>>
      tpu.wait_indirect_dma semaphore(%arg17 : memref<!tpu.dma_semaphore, #tpu.memory_space<semaphore_mem>>) src(%dma_wait3A_156 : memref<1000000x128xf32, #tpu.memory_space<hbm>>) dst(%dma_wait3A_150 : memref<128x128xf32, #tpu.memory_space<vmem>>)
      %parallel_loop3A_157 = arith.constant 0 : i32
      %parallel_loop3A_158 = arith.constant 128 : i32
      %parallel_loop3A_159 = arith.constant 1 : i32
      %parallel_loop3A_160 = arith.constant 1 : i32
      %parallel_loop3A_161 = arith.constant 1 : i32
      scf.for %parallel_loop3A_169 = %parallel_loop3A_157 to %parallel_loop3A_158 step %parallel_loop3A_159  : i32 {
        %parallel_loop3A_170 = arith.constant 0 : i32
        %parallel_loop3A_171 = arith.constant 0 : i32
        %parallel_loop3A_172 = tpu.memref_slice %arg11[%parallel_loop3A_160, %parallel_loop3A_170, %parallel_loop3A_171] : memref<2x128x128xf32, #tpu.memory_space<vmem>> -> memref<1x128x128xf32, #tpu.memory_space<vmem>>
        %parallel_loop3A_173 = tpu.memref_squeeze %parallel_loop3A_172 : memref<1x128x128xf32, #tpu.memory_space<vmem>> -> memref<128x128xf32, #tpu.memory_space<vmem>>
        %parallel_loop3A_174 = arith.index_cast %parallel_loop3A_169 : i32 to index
        %parallel_loop3A_175 = arith.constant 0 : index
        %parallel_loop3A_176 = tpu.vector_load %parallel_loop3A_173[%parallel_loop3A_174, %parallel_loop3A_175] {strides = array<i32>} : memref<128x128xf32, #tpu.memory_space<vmem>>, vector<16xf32>,
        %parallel_loop3A_177 = arith.constant 0 : i32
        %parallel_loop3A_178 = arith.constant 0 : i32
        %parallel_loop3A_179 = tpu.memref_slice %arg12[%parallel_loop3A_161, %parallel_loop3A_177, %parallel_loop3A_178] : memref<2x128x128xf32, #tpu.memory_space<vmem>> -> memref<1x128x128xf32, #tpu.memory_space<vmem>>
        %parallel_loop3A_180 = tpu.memref_squeeze %parallel_loop3A_179 : memref<1x128x128xf32, #tpu.memory_space<vmem>> -> memref<128x128xf32, #tpu.memory_space<vmem>>
        %parallel_loop3A_181 = arith.index_cast %parallel_loop3A_169 : i32 to index
        %parallel_loop3A_182 = arith.constant 0 : index
        %parallel_loop3A_183 = tpu.vector_load %parallel_loop3A_180[%parallel_loop3A_181, %parallel_loop3A_182] {strides = array<i32>} : memref<128x128xf32, #tpu.memory_space<vmem>>, vector<16xf32>,
        %parallel_loop3A_184 = arith.mulf %parallel_loop3A_176, %parallel_loop3A_183 : vector<16xf32>
        %parallel_loop3A_185 = arith.mulf %parallel_loop3A_184, %get3A_1 : vector<16xf32>
        %parallel_loop3A_186 = arith.constant 0 : i32
        %parallel_loop3A_187 = arith.constant 0 : i32
        %parallel_loop3A_188 = tpu.memref_slice %arg11[%parallel_loop3A_160, %parallel_loop3A_186, %parallel_loop3A_187] : memref<2x128x128xf32, #tpu.memory_space<vmem>> -> memref<1x128x128xf32, #tpu.memory_space<vmem>>
        %parallel_loop3A_189 = tpu.memref_squeeze %parallel_loop3A_188 : memref<1x128x128xf32, #tpu.memory_space<vmem>> -> memref<128x128xf32, #tpu.memory_space<vmem>>
        %parallel_loop3A_190 = arith.index_cast %parallel_loop3A_169 : i32 to index
        %parallel_loop3A_191 = arith.constant 16 : index
        %parallel_loop3A_192 = tpu.vector_load %parallel_loop3A_189[%parallel_loop3A_190, %parallel_loop3A_191] {strides = array<i32>} : memref<128x128xf32, #tpu.memory_space<vmem>>, vector<16xf32>,
        %parallel_loop3A_193 = arith.constant 0 : i32
        %parallel_loop3A_194 = arith.constant 0 : i32
        %parallel_loop3A_195 = tpu.memref_slice %arg12[%parallel_loop3A_161, %parallel_loop3A_193, %parallel_loop3A_194] : memref<2x128x128xf32, #tpu.memory_space<vmem>> -> memref<1x128x128xf32, #tpu.memory_space<vmem>>
        %parallel_loop3A_196 = tpu.memref_squeeze %parallel_loop3A_195 : memref<1x128x128xf32, #tpu.memory_space<vmem>> -> memref<128x128xf32, #tpu.memory_space<vmem>>
        %parallel_loop3A_197 = arith.index_cast %parallel_loop3A_169 : i32 to index
        %parallel_loop3A_198 = arith.constant 16 : index
        %parallel_loop3A_199 = tpu.vector_load %parallel_loop3A_196[%parallel_loop3A_197, %parallel_loop3A_198] {strides = array<i32>} : memref<128x128xf32, #tpu.memory_space<vmem>>, vector<16xf32>,
        %parallel_loop3A_200 = arith.mulf %parallel_loop3A_192, %parallel_loop3A_199 : vector<16xf32>
        %parallel_loop3A_201 = arith.mulf %parallel_loop3A_200, %get3A_3 : vector<16xf32>
        %parallel_loop3A_202 = arith.addf %parallel_loop3A_185, %parallel_loop3A_201 : vector<16xf32>
        %parallel_loop3A_203 = arith.constant 0 : i32
        %parallel_loop3A_204 = arith.constant 0 : i32
        %parallel_loop3A_205 = tpu.memref_slice %arg11[%parallel_loop3A_160, %parallel_loop3A_203, %parallel_loop3A_204] : memref<2x128x128xf32, #tpu.memory_space<vmem>> -> memref<1x128x128xf32, #tpu.memory_space<vmem>>
        %parallel_loop3A_206 = tpu.memref_squeeze %parallel_loop3A_205 : memref<1x128x128xf32, #tpu.memory_space<vmem>> -> memref<128x128xf32, #tpu.memory_space<vmem>>
        %parallel_loop3A_207 = arith.index_cast %parallel_loop3A_169 : i32 to index
        %parallel_loop3A_208 = arith.constant 32 : index
        %parallel_loop3A_209 = tpu.vector_load %parallel_loop3A_206[%parallel_loop3A_207, %parallel_loop3A_208] {strides = array<i32>} : memref<128x128xf32, #tpu.memory_space<vmem>>, vector<16xf32>,
        %parallel_loop3A_210 = arith.constant 0 : i32
        %parallel_loop3A_211 = arith.constant 0 : i32
        %parallel_loop3A_212 = tpu.memref_slice %arg12[%parallel_loop3A_161, %parallel_loop3A_210, %parallel_loop3A_211] : memref<2x128x128xf32, #tpu.memory_space<vmem>> -> memref<1x128x128xf32, #tpu.memory_space<vmem>>
        %parallel_loop3A_213 = tpu.memref_squeeze %parallel_loop3A_212 : memref<1x128x128xf32, #tpu.memory_space<vmem>> -> memref<128x128xf32, #tpu.memory_space<vmem>>
        %parallel_loop3A_214 = arith.index_cast %parallel_loop3A_169 : i32 to index
        %parallel_loop3A_215 = arith.constant 32 : index
        %parallel_loop3A_216 = tpu.vector_load %parallel_loop3A_213[%parallel_loop3A_214, %parallel_loop3A_215] {strides = array<i32>} : memref<128x128xf32, #tpu.memory_space<vmem>>, vector<16xf32>,
        %parallel_loop3A_217 = arith.mulf %parallel_loop3A_209, %parallel_loop3A_216 : vector<16xf32>
        %parallel_loop3A_218 = arith.mulf %parallel_loop3A_217, %get3A_5 : vector<16xf32>
        %parallel_loop3A_219 = arith.addf %parallel_loop3A_202, %parallel_loop3A_218 : vector<16xf32>
        %parallel_loop3A_220 = arith.constant 0 : i32
        %parallel_loop3A_221 = arith.constant 0 : i32
        %parallel_loop3A_222 = tpu.memref_slice %arg11[%parallel_loop3A_160, %parallel_loop3A_220, %parallel_loop3A_221] : memref<2x128x128xf32, #tpu.memory_space<vmem>> -> memref<1x128x128xf32, #tpu.memory_space<vmem>>
        %parallel_loop3A_223 = tpu.memref_squeeze %parallel_loop3A_222 : memref<1x128x128xf32, #tpu.memory_space<vmem>> -> memref<128x128xf32, #tpu.memory_space<vmem>>
        %parallel_loop3A_224 = arith.index_cast %parallel_loop3A_169 : i32 to index
        %parallel_loop3A_225 = arith.constant 48 : index
        %parallel_loop3A_226 = tpu.vector_load %parallel_loop3A_223[%parallel_loop3A_224, %parallel_loop3A_225] {strides = array<i32>} : memref<128x128xf32, #tpu.memory_space<vmem>>, vector<16xf32>,
        %parallel_loop3A_227 = arith.constant 0 : i32
        %parallel_loop3A_228 = arith.constant 0 : i32
        %parallel_loop3A_229 = tpu.memref_slice %arg12[%parallel_loop3A_161, %parallel_loop3A_227, %parallel_loop3A_228] : memref<2x128x128xf32, #tpu.memory_space<vmem>> -> memref<1x128x128xf32, #tpu.memory_space<vmem>>
        %parallel_loop3A_230 = tpu.memref_squeeze %parallel_loop3A_229 : memref<1x128x128xf32, #tpu.memory_space<vmem>> -> memref<128x128xf32, #tpu.memory_space<vmem>>
        %parallel_loop3A_231 = arith.index_cast %parallel_loop3A_169 : i32 to index
        %parallel_loop3A_232 = arith.constant 48 : index
        %parallel_loop3A_233 = tpu.vector_load %parallel_loop3A_230[%parallel_loop3A_231, %parallel_loop3A_232] {strides = array<i32>} : memref<128x128xf32, #tpu.memory_space<vmem>>, vector<16xf32>,
        %parallel_loop3A_234 = arith.mulf %parallel_loop3A_226, %parallel_loop3A_233 : vector<16xf32>
        %parallel_loop3A_235 = arith.mulf %parallel_loop3A_234, %get3A_7 : vector<16xf32>
        %parallel_loop3A_236 = arith.addf %parallel_loop3A_219, %parallel_loop3A_235 : vector<16xf32>
        %parallel_loop3A_237 = arith.constant 0 : i32
        %parallel_loop3A_238 = arith.constant 0 : i32
        %parallel_loop3A_239 = tpu.memref_slice %arg11[%parallel_loop3A_160, %parallel_loop3A_237, %parallel_loop3A_238] : memref<2x128x128xf32, #tpu.memory_space<vmem>> -> memref<1x128x128xf32, #tpu.memory_space<vmem>>
        %parallel_loop3A_240 = tpu.memref_squeeze %parallel_loop3A_239 : memref<1x128x128xf32, #tpu.memory_space<vmem>> -> memref<128x128xf32, #tpu.memory_space<vmem>>
        %parallel_loop3A_241 = arith.index_cast %parallel_loop3A_169 : i32 to index
        %parallel_loop3A_242 = arith.constant 64 : index
        %parallel_loop3A_243 = tpu.vector_load %parallel_loop3A_240[%parallel_loop3A_241, %parallel_loop3A_242] {strides = array<i32>} : memref<128x128xf32, #tpu.memory_space<vmem>>, vector<16xf32>,
        %parallel_loop3A_244 = arith.constant 0 : i32
        %parallel_loop3A_245 = arith.constant 0 : i32
        %parallel_loop3A_246 = tpu.memref_slice %arg12[%parallel_loop3A_161, %parallel_loop3A_244, %parallel_loop3A_245] : memref<2x128x128xf32, #tpu.memory_space<vmem>> -> memref<1x128x128xf32, #tpu.memory_space<vmem>>
        %parallel_loop3A_247 = tpu.memref_squeeze %parallel_loop3A_246 : memref<1x128x128xf32, #tpu.memory_space<vmem>> -> memref<128x128xf32, #tpu.memory_space<vmem>>
        %parallel_loop3A_248 = arith.index_cast %parallel_loop3A_169 : i32 to index
        %parallel_loop3A_249 = arith.constant 64 : index
        %parallel_loop3A_250 = tpu.vector_load %parallel_loop3A_247[%parallel_loop3A_248, %parallel_loop3A_249] {strides = array<i32>} : memref<128x128xf32, #tpu.memory_space<vmem>>, vector<16xf32>,
        %parallel_loop3A_251 = arith.mulf %parallel_loop3A_243, %parallel_loop3A_250 : vector<16xf32>
        %parallel_loop3A_252 = arith.mulf %parallel_loop3A_251, %get3A_9 : vector<16xf32>
        %parallel_loop3A_253 = arith.addf %parallel_loop3A_236, %parallel_loop3A_252 : vector<16xf32>
        %parallel_loop3A_254 = arith.constant 0 : i32
        %parallel_loop3A_255 = arith.constant 0 : i32
        %parallel_loop3A_256 = tpu.memref_slice %arg11[%parallel_loop3A_160, %parallel_loop3A_254, %parallel_loop3A_255] : memref<2x128x128xf32, #tpu.memory_space<vmem>> -> memref<1x128x128xf32, #tpu.memory_space<vmem>>
        %parallel_loop3A_257 = tpu.memref_squeeze %parallel_loop3A_256 : memref<1x128x128xf32, #tpu.memory_space<vmem>> -> memref<128x128xf32, #tpu.memory_space<vmem>>
        %parallel_loop3A_258 = arith.index_cast %parallel_loop3A_169 : i32 to index
        %parallel_loop3A_259 = arith.constant 80 : index
        %parallel_loop3A_260 = tpu.vector_load %parallel_loop3A_257[%parallel_loop3A_258, %parallel_loop3A_259] {strides = array<i32>} : memref<128x128xf32, #tpu.memory_space<vmem>>, vector<16xf32>,
        %parallel_loop3A_261 = arith.constant 0 : i32
        %parallel_loop3A_262 = arith.constant 0 : i32
        %parallel_loop3A_263 = tpu.memref_slice %arg12[%parallel_loop3A_161, %parallel_loop3A_261, %parallel_loop3A_262] : memref<2x128x128xf32, #tpu.memory_space<vmem>> -> memref<1x128x128xf32, #tpu.memory_space<vmem>>
        %parallel_loop3A_264 = tpu.memref_squeeze %parallel_loop3A_263 : memref<1x128x128xf32, #tpu.memory_space<vmem>> -> memref<128x128xf32, #tpu.memory_space<vmem>>
        %parallel_loop3A_265 = arith.index_cast %parallel_loop3A_169 : i32 to index
        %parallel_loop3A_266 = arith.constant 80 : index
        %parallel_loop3A_267 = tpu.vector_load %parallel_loop3A_264[%parallel_loop3A_265, %parallel_loop3A_266] {strides = array<i32>} : memref<128x128xf32, #tpu.memory_space<vmem>>, vector<16xf32>,
        %parallel_loop3A_268 = arith.mulf %parallel_loop3A_260, %parallel_loop3A_267 : vector<16xf32>
        %parallel_loop3A_269 = arith.mulf %parallel_loop3A_268, %get3A_11 : vector<16xf32>
        %parallel_loop3A_270 = arith.addf %parallel_loop3A_253, %parallel_loop3A_269 : vector<16xf32>
        %parallel_loop3A_271 = arith.constant 0 : i32
        %parallel_loop3A_272 = arith.constant 0 : i32
        %parallel_loop3A_273 = tpu.memref_slice %arg11[%parallel_loop3A_160, %parallel_loop3A_271, %parallel_loop3A_272] : memref<2x128x128xf32, #tpu.memory_space<vmem>> -> memref<1x128x128xf32, #tpu.memory_space<vmem>>
        %parallel_loop3A_274 = tpu.memref_squeeze %parallel_loop3A_273 : memref<1x128x128xf32, #tpu.memory_space<vmem>> -> memref<128x128xf32, #tpu.memory_space<vmem>>
        %parallel_loop3A_275 = arith.index_cast %parallel_loop3A_169 : i32 to index
        %parallel_loop3A_276 = arith.constant 96 : index
        %parallel_loop3A_277 = tpu.vector_load %parallel_loop3A_274[%parallel_loop3A_275, %parallel_loop3A_276] {strides = array<i32>} : memref<128x128xf32, #tpu.memory_space<vmem>>, vector<16xf32>,
        %parallel_loop3A_278 = arith.constant 0 : i32
        %parallel_loop3A_279 = arith.constant 0 : i32
        %parallel_loop3A_280 = tpu.memref_slice %arg12[%parallel_loop3A_161, %parallel_loop3A_278, %parallel_loop3A_279] : memref<2x128x128xf32, #tpu.memory_space<vmem>> -> memref<1x128x128xf32, #tpu.memory_space<vmem>>
        %parallel_loop3A_281 = tpu.memref_squeeze %parallel_loop3A_280 : memref<1x128x128xf32, #tpu.memory_space<vmem>> -> memref<128x128xf32, #tpu.memory_space<vmem>>
        %parallel_loop3A_282 = arith.index_cast %parallel_loop3A_169 : i32 to index
        %parallel_loop3A_283 = arith.constant 96 : index
        %parallel_loop3A_284 = tpu.vector_load %parallel_loop3A_281[%parallel_loop3A_282, %parallel_loop3A_283] {strides = array<i32>} : memref<128x128xf32, #tpu.memory_space<vmem>>, vector<16xf32>,
        %parallel_loop3A_285 = arith.mulf %parallel_loop3A_277, %parallel_loop3A_284 : vector<16xf32>
        %parallel_loop3A_286 = arith.mulf %parallel_loop3A_285, %get3A_13 : vector<16xf32>
        %parallel_loop3A_287 = arith.addf %parallel_loop3A_270, %parallel_loop3A_286 : vector<16xf32>
        %parallel_loop3A_288 = arith.constant 0 : i32
        %parallel_loop3A_289 = arith.constant 0 : i32
        %parallel_loop3A_290 = tpu.memref_slice %arg11[%parallel_loop3A_160, %parallel_loop3A_288, %parallel_loop3A_289] : memref<2x128x128xf32, #tpu.memory_space<vmem>> -> memref<1x128x128xf32, #tpu.memory_space<vmem>>
        %parallel_loop3A_291 = tpu.memref_squeeze %parallel_loop3A_290 : memref<1x128x128xf32, #tpu.memory_space<vmem>> -> memref<128x128xf32, #tpu.memory_space<vmem>>
        %parallel_loop3A_292 = arith.index_cast %parallel_loop3A_169 : i32 to index
        %parallel_loop3A_293 = arith.constant 112 : index
        %parallel_loop3A_294 = tpu.vector_load %parallel_loop3A_291[%parallel_loop3A_292, %parallel_loop3A_293] {strides = array<i32>} : memref<128x128xf32, #tpu.memory_space<vmem>>, vector<16xf32>,
        %parallel_loop3A_295 = arith.constant 0 : i32
        %parallel_loop3A_296 = arith.constant 0 : i32
        %parallel_loop3A_297 = tpu.memref_slice %arg12[%parallel_loop3A_161, %parallel_loop3A_295, %parallel_loop3A_296] : memref<2x128x128xf32, #tpu.memory_space<vmem>> -> memref<1x128x128xf32, #tpu.memory_space<vmem>>
        %parallel_loop3A_298 = tpu.memref_squeeze %parallel_loop3A_297 : memref<1x128x128xf32, #tpu.memory_space<vmem>> -> memref<128x128xf32, #tpu.memory_space<vmem>>
        %parallel_loop3A_299 = arith.index_cast %parallel_loop3A_169 : i32 to index
        %parallel_loop3A_300 = arith.constant 112 : index
        %parallel_loop3A_301 = tpu.vector_load %parallel_loop3A_298[%parallel_loop3A_299, %parallel_loop3A_300] {strides = array<i32>} : memref<128x128xf32, #tpu.memory_space<vmem>>, vector<16xf32>,
        %parallel_loop3A_302 = arith.mulf %parallel_loop3A_294, %parallel_loop3A_301 : vector<16xf32>
        %parallel_loop3A_303 = arith.mulf %parallel_loop3A_302, %get3A_15 : vector<16xf32>
        %parallel_loop3A_304 = arith.addf %parallel_loop3A_287, %parallel_loop3A_303 : vector<16xf32>
        %parallel_loop3A_305 = arith.constant 0 : i32
        %parallel_loop3A_306 = vector.broadcast %parallel_loop3A_305 : i32 to vector<16xi32>
        %parallel_loop3A_307 = arith.cmpi slt, %xor3A_19, %parallel_loop3A_306 : vector<16xi32>
        %parallel_loop3A_308 = arith.constant 16 : i32
        %parallel_loop3A_309 = vector.broadcast %parallel_loop3A_308 : i32 to vector<16xi32>
        %parallel_loop3A_310 = arith.addi %xor3A_19, %parallel_loop3A_309 : vector<16xi32>
        %parallel_loop3A_311 = arith.select %parallel_loop3A_307, %parallel_loop3A_310, %xor3A_19 : vector<16xi1>, vector<16xi32>
        %parallel_loop3A_312 = vector.shape_cast %parallel_loop3A_311 : vector<16xi32> to vector<16x1xi32>
        %parallel_loop3A_313 = vector.shape_cast %parallel_loop3A_312 : vector<16x1xi32> to vector<16xi32>
        %parallel_loop3A_314 = tpu.dynamic_gather %parallel_loop3A_304[%parallel_loop3A_313] in [0] : vector<16xf32>, vector<16xi32> -> vector<16xf32>
        %parallel_loop3A_315 = arith.addf %parallel_loop3A_304, %parallel_loop3A_314 : vector<16xf32>
        %parallel_loop3A_316 = arith.constant 0 : i32
        %parallel_loop3A_317 = vector.broadcast %parallel_loop3A_316 : i32 to vector<16xi32>
        %parallel_loop3A_318 = arith.cmpi slt, %xor3A_22, %parallel_loop3A_317 : vector<16xi32>
        %parallel_loop3A_319 = arith.constant 16 : i32
        %parallel_loop3A_320 = vector.broadcast %parallel_loop3A_319 : i32 to vector<16xi32>
        %parallel_loop3A_321 = arith.addi %xor3A_22, %parallel_loop3A_320 : vector<16xi32>
        %parallel_loop3A_322 = arith.select %parallel_loop3A_318, %parallel_loop3A_321, %xor3A_22 : vector<16xi1>, vector<16xi32>
        %parallel_loop3A_323 = vector.shape_cast %parallel_loop3A_322 : vector<16xi32> to vector<16x1xi32>
        %parallel_loop3A_324 = vector.shape_cast %parallel_loop3A_323 : vector<16x1xi32> to vector<16xi32>
        %parallel_loop3A_325 = tpu.dynamic_gather %parallel_loop3A_315[%parallel_loop3A_324] in [0] : vector<16xf32>, vector<16xi32> -> vector<16xf32>
        %parallel_loop3A_326 = arith.addf %parallel_loop3A_315, %parallel_loop3A_325 : vector<16xf32>
        %parallel_loop3A_327 = arith.constant 0 : i32
        %parallel_loop3A_328 = vector.broadcast %parallel_loop3A_327 : i32 to vector<16xi32>
        %parallel_loop3A_329 = arith.cmpi slt, %xor3A_25, %parallel_loop3A_328 : vector<16xi32>
        %parallel_loop3A_330 = arith.constant 16 : i32
        %parallel_loop3A_331 = vector.broadcast %parallel_loop3A_330 : i32 to vector<16xi32>
        %parallel_loop3A_332 = arith.addi %xor3A_25, %parallel_loop3A_331 : vector<16xi32>
        %parallel_loop3A_333 = arith.select %parallel_loop3A_329, %parallel_loop3A_332, %xor3A_25 : vector<16xi1>, vector<16xi32>
        %parallel_loop3A_334 = vector.shape_cast %parallel_loop3A_333 : vector<16xi32> to vector<16x1xi32>
        %parallel_loop3A_335 = vector.shape_cast %parallel_loop3A_334 : vector<16x1xi32> to vector<16xi32>
        %parallel_loop3A_336 = tpu.dynamic_gather %parallel_loop3A_326[%parallel_loop3A_335] in [0] : vector<16xf32>, vector<16xi32> -> vector<16xf32>
        %parallel_loop3A_337 = arith.addf %parallel_loop3A_326, %parallel_loop3A_336 : vector<16xf32>
        %parallel_loop3A_338 = arith.constant 0 : i32
        %parallel_loop3A_339 = vector.broadcast %parallel_loop3A_338 : i32 to vector<16xi32>
        %parallel_loop3A_340 = arith.cmpi slt, %xor3A_28, %parallel_loop3A_339 : vector<16xi32>
        %parallel_loop3A_341 = arith.constant 16 : i32
        %parallel_loop3A_342 = vector.broadcast %parallel_loop3A_341 : i32 to vector<16xi32>
        %parallel_loop3A_343 = arith.addi %xor3A_28, %parallel_loop3A_342 : vector<16xi32>
        %parallel_loop3A_344 = arith.select %parallel_loop3A_340, %parallel_loop3A_343, %xor3A_28 : vector<16xi1>, vector<16xi32>
        %parallel_loop3A_345 = vector.shape_cast %parallel_loop3A_344 : vector<16xi32> to vector<16x1xi32>
        %parallel_loop3A_346 = vector.shape_cast %parallel_loop3A_345 : vector<16x1xi32> to vector<16xi32>
        %parallel_loop3A_347 = tpu.dynamic_gather %parallel_loop3A_337[%parallel_loop3A_346] in [0] : vector<16xf32>, vector<16xi32> -> vector<16xf32>
        %parallel_loop3A_348 = arith.addf %parallel_loop3A_337, %parallel_loop3A_347 : vector<16xf32>
        %parallel_loop3A_349 = arith.constant 128 : i32
        %parallel_loop3A_350 = arith.muli %add3A_132, %parallel_loop3A_349 : i32
        %parallel_loop3A_351 = arith.addi %parallel_loop3A_350, %parallel_loop3A_169 : i32
        %parallel_loop3A_352 = vector.broadcast %parallel_loop3A_351 : i32 to vector<16xi32>
        tpu.vector_store_idx %arg15[%parallel_loop3A_352], %parallel_loop3A_348 masked %eq3A_17 : memref<512xf32, #tpu.memory_space<vmem>>[vector<16xi32>], vector<16xf32>, vector<16xi1>
      } {sc.loop_unroll_factor = 2 : i64, sc.parallel_access}
      %add3A_162 = arith.constant 2 : i32
      %add3A_163 = arith.addi %add3A_132, %add3A_162 : i32
      %lt3A_164 = arith.constant 4 : i32
      %lt3A_165 = arith.cmpi slt, %add3A_163, %lt3A_164 : i32
      %convert_element_type3A_166 = arith.extui %lt3A_165 : i1 to i32
      %cond3A_167 = arith.constant 0 : i32
      %cond3A_168 = arith.cmpi ne, %convert_element_type3A_166, %cond3A_167 : i32
      scf.if %cond3A_168 {
        %add3A_169 = arith.constant 2 : i32
        %add3A_170 = arith.addi %add3A_132, %add3A_169 : i32
        %dma_start3A_171 = arith.constant 1 : i32
        %dma_start3A_172 = arith.constant 0 : i32
        %dma_start3A_173 = arith.constant 0 : i32
        %dma_start3A_174 = tpu.memref_slice %arg11[%dma_start3A_171, %dma_start3A_172, %dma_start3A_173] : memref<2x128x128xf32, #tpu.memory_space<vmem>> -> memref<1x128x128xf32, #tpu.memory_space<vmem>>
        %dma_start3A_175 = tpu.memref_squeeze %dma_start3A_174 : memref<1x128x128xf32, #tpu.memory_space<vmem>> -> memref<128x128xf32, #tpu.memory_space<vmem>>
        %dma_start3A_176 = arith.constant 0 : i32
        %dma_start3A_177 = tpu.memref_slice %arg9[%add3A_170, %dma_start3A_176] : memref<4x128xi32, #tpu.memory_space<vmem>> -> memref<1x128xi32, #tpu.memory_space<vmem>>
        %dma_start3A_178 = tpu.memref_squeeze %dma_start3A_177 : memref<1x128xi32, #tpu.memory_space<vmem>> -> memref<128xi32, #tpu.memory_space<vmem>>
        %dma_start3A_179 = arith.constant 0 : i32
        %dma_start3A_180 = arith.constant 0 : i32
        %dma_start3A_181 = tpu.memref_slice %arg4[%dma_start3A_179, %dma_start3A_180] : memref<1000000x128xf32, #tpu.memory_space<hbm>> -> memref<1000000x128xf32, #tpu.memory_space<hbm>>
        tpu.enqueue_indirect_dma source(%dma_start3A_181 : memref<1000000x128xf32, #tpu.memory_space<hbm>>) target(%dma_start3A_175 : memref<128x128xf32, #tpu.memory_space<vmem>>) offsets(%dma_start3A_178 : memref<128xi32, #tpu.memory_space<vmem>>) semaphore(%arg17 : memref<!tpu.dma_semaphore, #tpu.memory_space<semaphore_mem>>)
        %dma_start3A_182 = arith.constant 1 : i32
        %dma_start3A_183 = arith.constant 0 : i32
        %dma_start3A_184 = arith.constant 0 : i32
        %dma_start3A_185 = tpu.memref_slice %arg12[%dma_start3A_182, %dma_start3A_183, %dma_start3A_184] : memref<2x128x128xf32, #tpu.memory_space<vmem>> -> memref<1x128x128xf32, #tpu.memory_space<vmem>>
        %dma_start3A_186 = tpu.memref_squeeze %dma_start3A_185 : memref<1x128x128xf32, #tpu.memory_space<vmem>> -> memref<128x128xf32, #tpu.memory_space<vmem>>
        %dma_start3A_187 = arith.constant 0 : i32
        %dma_start3A_188 = tpu.memref_slice %arg10[%add3A_170, %dma_start3A_187] : memref<4x128xi32, #tpu.memory_space<vmem>> -> memref<1x128xi32, #tpu.memory_space<vmem>>
        %dma_start3A_189 = tpu.memref_squeeze %dma_start3A_188 : memref<1x128xi32, #tpu.memory_space<vmem>> -> memref<128xi32, #tpu.memory_space<vmem>>
        %dma_start3A_190 = arith.constant 0 : i32
        %dma_start3A_191 = arith.constant 0 : i32
        %dma_start3A_192 = tpu.memref_slice %arg5[%dma_start3A_190, %dma_start3A_191] : memref<1000000x128xf32, #tpu.memory_space<hbm>> -> memref<1000000x128xf32, #tpu.memory_space<hbm>>
        tpu.enqueue_indirect_dma source(%dma_start3A_192 : memref<1000000x128xf32, #tpu.memory_space<hbm>>) target(%dma_start3A_186 : memref<128x128xf32, #tpu.memory_space<vmem>>) offsets(%dma_start3A_189 : memref<128xi32, #tpu.memory_space<vmem>>) semaphore(%arg17 : memref<!tpu.dma_semaphore, #tpu.memory_space<semaphore_mem>>)
      } else {
      }
    }
    %scan3A_79 = arith.constant 2 : i32
    %get3A_80 = arith.constant 0 : index
    %get3A_81 = tpu.vector_load %arg14[%get3A_80] {strides = array<i32>} : memref<16xf32, #tpu.memory_space<vmem>>, vector<16xf32>,
    %scan3A_82 = arith.constant 0 : i32
    %scan3A_83 = arith.constant 32 : i32
    %scan3A_84 = arith.addi %scan3A_82, %scan3A_83 : i32
    %scan3A_85 = arith.constant 1 : i32
    scf.for %scan3A_89 = %scan3A_82 to %scan3A_84 step %scan3A_85  : i32 {
      %mul3A_90 = arith.constant 1 : i32
      %mul3A_91 = arith.muli %scan3A_89, %mul3A_90 : i32
      %add3A_92 = arith.constant 0 : i32
      %add3A_93 = arith.addi %add3A_92, %mul3A_91 : i32
      %mul3A_94 = arith.constant 16 : i32
      %mul3A_95 = arith.muli %add3A_93, %mul3A_94 : i32
      %get3A_96 = arith.index_cast %mul3A_95 : i32 to index
      %get3A_97 = tpu.vector_load %arg15[%get3A_96] {strides = array<i32>} : memref<512xf32, #tpu.memory_space<vmem>>, vector<16xf32>,
      %add3A_98 = arith.addf %get3A_97, %get3A_81 : vector<16xf32>
      %neg3A = arith.constant 0.000000e+00 : f32
      %neg3A_99 = vector.broadcast %neg3A : f32 to vector<16xf32>
      %neg3A_100 = arith.subf %neg3A_99, %add3A_98 : vector<16xf32>
      %exp3A = math.exp %neg3A_100 : vector<16xf32>
      %add3A_101 = arith.constant 1.000000e+00 : f32
      %add3A_102 = vector.broadcast %add3A_101 : f32 to vector<16xf32>
      %add3A_103 = arith.addf %add3A_102, %exp3A : vector<16xf32>
      %div3A = arith.constant 1.000000e+00 : f32
      %div3A_104 = vector.broadcast %div3A : f32 to vector<16xf32>
      %div3A_105 = arith.divf %div3A_104, %add3A_103 : vector<16xf32>
      %mul3A_106 = arith.constant 16 : i32
      %mul3A_107 = arith.muli %add3A_93, %mul3A_106 : i32
      %swap3A = arith.index_cast %mul3A_107 : i32 to index
      %swap3A_108 = tpu.vector_load %arg15[%swap3A] {strides = array<i32>} : memref<512xf32, #tpu.memory_space<vmem>>, vector<16xf32>,
      tpu.vector_store %arg15[%swap3A], %div3A_105 {strides = array<i32>} : memref<512xf32, #tpu.memory_space<vmem>>, vector<16xf32>,
    }
    %scan3A_86 = arith.constant 32 : i32
    %mul3A_87 = arith.constant 512 : i32
    %mul3A_88 = arith.muli %add3A, %mul3A_87 : i32
    "tpu.region"() ({
      %run_scoped3A = tpu.sem_alloc : memref<!tpu.dma_semaphore, #tpu.memory_space<semaphore_mem>>
      %dma_start3A_89 = tpu.memref_slice %arg8[%mul3A_88] : memref<16384xf32, #tpu.memory_space<hbm>> -> memref<512xf32, #tpu.memory_space<hbm>>
      %dma_start3A_90 = tpu.memref_slice %arg8[%mul3A_88] : memref<16384xf32, #tpu.memory_space<hbm>> -> memref<512xf32, #tpu.memory_space<hbm>>
      tpu.enqueue_dma source(%arg15 : memref<512xf32, #tpu.memory_space<vmem>>) target(%dma_start3A_90 : memref<512xf32, #tpu.memory_space<hbm>>) target_semaphore(%run_scoped3A : memref<!tpu.dma_semaphore, #tpu.memory_space<semaphore_mem>>)
      %dma_wait3A = tpu.memref_slice %arg8[%mul3A_88] : memref<16384xf32, #tpu.memory_space<hbm>> -> memref<512xf32, #tpu.memory_space<hbm>>
      %dma_wait3A_91 = tpu.memref_slice %arg8[%mul3A_88] : memref<16384xf32, #tpu.memory_space<hbm>> -> memref<512xf32, #tpu.memory_space<hbm>>
      tpu.wait_dma2 semaphore(%run_scoped3A : memref<!tpu.dma_semaphore, #tpu.memory_space<semaphore_mem>>) src(%arg15 : memref<512xf32, #tpu.memory_space<vmem>>) dst(%dma_wait3A_91 : memref<512xf32, #tpu.memory_space<hbm>>)
      tpu.yield
    }) : () -> ()
    return
  }
}

</mosaic_0001>

<sc_bundles>
// kernel: kernel.3.cloned.1.call-start
scs
__scs_entry_jumppad:
0x0: {  	(pc) =	sbr.rel $0x88, $3  }
0x1: {  	(tag) =	ssettag $0x0;
	lr =	simm.s32 $0x1  }
0x2: {  	[smem:$0x3F9B] =	sst lr;
	_ =	strace $0xD0000000  }
0x3: {  	_ = 	snop  }
0x4: {  	_ = 	snop  }
0x5: {  	_ = 	snop  }
0x6: {  	_ = 	snop  }
0x7: {  	_ = 	snop  }
__scs_overlays_trampoline_lowered:
0x8: {  	[smem:$0x3FAA] =	sst s0  }
0x9: {  	[smem:$0x3FAB] =	sst s1  }
0xa: {  	[smem:$0x3FAC] =	sst s2  }
0xb: {  	[smem:$0x3FAD] =	sst s3  }
0xc: {  	[smem:$0x3FAE] =	sst s4  }
0xd: {  	[smem:$0x3FAF] =	sst s5  }
0xe: {  	[smem:$0x3FB0] =	sst s6  }
0xf: {  	[smem:$0x3FB1] =	sst s7  }
0x10: {  	[smem:$0x3FB2] =	sst s8  }
0x11: {  	[smem:$0x3FB3] =	sst s9;
	s0 =	simm.s32 @!p0 $0x0  }
0x12: {  	s1 =	sld [smem:$0x3F99];
	s0 =	simm.s32 @p0 $0x1  }
0x13: {  	[smem:$0x3FB4] =	sst s0;
	s0 =	simm.s32 @!p1 $0x0  }
0x14: {  	s2 =	sld [smem:$0x3F98];
	s0 =	simm.s32 @p1 $0x1  }
0x15: {  	[smem:$0x3FB5] =	sst s0;
	s0 =	simm.s32 @!p2 $0x0  }
0x16: {  	s3 =	sld [smem:$0x3FDB];
	s0 =	simm.s32 @p2 $0x1  }
0x17: {  	s4 =	simm.s32 $0x1BF5;
	[smem:$0x3FB7] =	sst s0  }
0x18: {  	s0 =	sld [smem:$0x3F9A];
	_ =	swait.ge [sflag:s4], $0x0  }
0x19: {  	s7 =	sld [smem:$0x3F9B]  }
0x1a: {  	s8 =	sadd.s32 $0xFFFFE003, lr  }
0x1b: {  	s9 =	sadd.s32 $0xFFFFFEF7, lr;
	s5 =	simm.s32 $0xFFFFFFFF;
	p2 =	slt.u32 s8, $0xFFFFF086  }
0x1c: {  	p1 =	slt.u32 s9, $0xF7A;
	s5 =	simm.s32 @!p2 $0x0  }
0x1d: {  	s5 =	simm.s32 @p1 $0x1;
	p0 =	seq.s32 s7, s2  }
0x1e: {  	s7 =	smul.u32 @!p0 $0xF7A, s2;
	p2 =	seq.s32 @!p0 s5, $0x0  }
0x1f: {  	s9 =	smul.u32 $0xF7A, s1;
	s8 =	simm.s32 @!p0 $0x1BF5;
	p2 =	por !p2, p0  }
0x20: {  	[sflag:s8] =	ssyncset.s32 @!p0 $0xFFFFF086;
	s6 =	sadd.s32 @!p0 s3, s7;
	s7 =	simm.s32 @!p0 $0x108  }
0x21: {  	s3 =	sadd.s32 s3, s9;
	s6 =	sadd.s32 @!p0 $0x88, s6;
	s7 =	simm.s32 @p2 $0x1082  }
0x22: {  	[simem:s7], [sflag:s8] =	dma.local @!p0 [hbm:s6], $0xF7A  }
0x23: {  	s9 =	sor.u32 $0xD0000000, s2;
	s6 =	simm.s32 $0x108;
	_ =	swait.ge @!p0 [sflag:s8], $0x0  }
0x24: {  	s3 =	sadd.s32 $0x88, s3;
	s6 =	simm.s32 @!p1 $0x1082;
	[sflag:s4] =	ssyncset.s32 $0xFFFFF086  }
0x25: {  	[simem:s6], [sflag:s4] =	dma.local [hbm:s3], $0xF7A  }
0x26: {  	[smem:$0x3F9B] =	sst s1;
	(tag) =	ssettag s2;
	_ =	strace s9  }
0x27: {  	s1 =	sld [smem:$0x3FAB]  }
0x28: {  	s2 =	sld [smem:$0x3FAC]  }
0x29: {  	s4 =	sld [smem:$0x3FAE]  }
0x2a: {  	p0 =	seq.s32 s5, $0x0;
	s5 =	sld [smem:$0x3FAF]  }
0x2b: {  	s6 =	sld [smem:$0x3FB0]  }
0x2c: {  	s7 =	sld [smem:$0x3FB1]  }
0x2d: {  	s3 =	simm.s32 $0x108;
	s8 =	sld [smem:$0x3FB2]  }
0x2e: {  	s3 =	simm.s32 @!p0 $0x1082;
	s9 =	sld [smem:$0x3FB3]  }
0x2f: {  	lr =	sadd.s32 s0, s3;
	s0 =	sld [smem:$0x3FAA]  }
0x30: {  	s3 =	sld [smem:$0x3FAD]  }
0x31: {  	[smem:$0x3FB6] =	sst s10  }
0x32: {  	s10 =	sld [smem:$0x3FB4];
	_ =	sdelay $0x3  }
0x33: {  	p0 =	seq.s32 s10, $0x1;
	s10 =	sld [smem:$0x3FB6];
	_ =	sdelay $0x3  }
0x34: {  	[smem:$0x3FB6] =	sst s10  }
0x35: {  	s10 =	sld [smem:$0x3FB5];
	_ =	sdelay $0x3  }
0x36: {  	p1 =	seq.s32 s10, $0x1;
	s10 =	sld [smem:$0x3FB6];
	_ =	sdelay $0x3  }
0x37: {  	[smem:$0x3FB6] =	sst s10  }
0x38: {  	s10 =	sld [smem:$0x3FB7]  }
0x39: {  	_ = 	snop;
	(pc) =	sbr.ind lr, $3  }
0x3a: {  	_ = 	snop  }
0x3b: {  	_ = 	snop  }
0x3c: {  	p2 =	seq.s32 s10, $0x1;
	s10 =	sld [smem:$0x3FB6]  }
0x3d: {  	_ =	shalt  }
0x3e: {  	_ =	shalt  }
0x3f: {  	_ =	shalt  }
0x40: {  	_ =	shalt  }
0x41: {  	_ =	shalt  }
0x42: {  	_ =	shalt  }
0x43: {  	_ =	shalt  }
0x44: {  	_ =	shalt  }
0x45: {  	_ =	shalt  }
0x46: {  	_ =	shalt  }
0x47: {  	_ =	shalt  }
0x48: {  	_ =	shalt  }
0x49: {  	_ =	shalt  }
0x4a: {  	_ =	shalt  }
0x4b: {  	_ =	shalt  }
0x4c: {  	_ =	shalt  }
0x4d: {  	_ =	shalt  }
0x4e: {  	_ =	shalt  }
0x4f: {  	_ =	shalt  }
0x50: {  	_ =	shalt  }
0x51: {  	_ =	shalt  }
0x52: {  	_ =	shalt  }
0x53: {  	_ =	shalt  }
0x54: {  	_ =	shalt  }
0x55: {  	_ =	shalt  }
0x56: {  	_ =	shalt  }
0x57: {  	_ =	shalt  }
0x58: {  	_ =	shalt  }
0x59: {  	_ =	shalt  }
0x5a: {  	_ =	shalt  }
0x5b: {  	_ =	shalt  }
0x5c: {  	_ =	shalt  }
0x5d: {  	_ =	shalt  }
0x5e: {  	_ =	shalt  }
0x5f: {  	_ =	shalt  }
0x60: {  	_ =	shalt  }
0x61: {  	_ =	shalt  }
0x62: {  	_ =	shalt  }
0x63: {  	_ =	shalt  }
0x64: {  	_ =	shalt  }
0x65: {  	_ =	shalt  }
0x66: {  	_ =	shalt  }
0x67: {  	_ =	shalt  }
0x68: {  	_ =	shalt  }
0x69: {  	_ =	shalt  }
0x6a: {  	_ =	shalt  }
0x6b: {  	_ =	shalt  }
0x6c: {  	_ =	shalt  }
0x6d: {  	_ =	shalt  }
0x6e: {  	_ =	shalt  }
0x6f: {  	_ =	shalt  }
0x70: {  	_ =	shalt  }
0x71: {  	_ =	shalt  }
0x72: {  	_ =	shalt  }
0x73: {  	_ =	shalt  }
0x74: {  	_ =	shalt  }
0x75: {  	_ =	shalt  }
0x76: {  	_ =	shalt  }
0x77: {  	_ =	shalt  }
0x78: {  	_ =	shalt  }
0x79: {  	_ =	shalt  }
0x7a: {  	_ =	shalt  }
0x7b: {  	_ =	shalt  }
0x7c: {  	_ =	shalt  }
0x7d: {  	_ =	shalt  }
0x7e: {  	_ =	shalt  }
0x7f: {  	_ =	shalt  }
0x80: {  	_ =	shalt  }
0x81: {  	_ =	shalt  }
0x82: {  	_ =	shalt  }
0x83: {  	_ =	shalt  }
0x84: {  	_ =	shalt  }
0x85: {  	_ =	shalt  }
0x86: {  	_ =	shalt  }
0x87: {  	_ =	shalt  }
.Lfunc_end0:
.L_simem_size_0:
called_computation_lowered:
.L_overlay_start_0:
0x88: {  	s2 =	sld [smem:$0x3FD9]  }
0x89: {  	s3 =	sld [smem:$0x3FFE];
	_ =	sdelay $0x1  }
0x8a: {  	s1 =	srdreg.scid  }
0x8b: {  	s0 =	sand.u32 $0x1, s1  }
0x8c: {  	s17 =	sshll.u32 s0, $0xA;
	s2 =	sadd.s32 s3, s2  }
0x8d: {  	s2 =	sadd.s32 s2, s17  }
0x8e: {  	[smem:$0x3FC2] =	sst s2  }
0x8f: {  	_ = 	snop  }
0x90: {  	s2 =	sld [smem:$0x3FC9]  }
0x91: {  	s18 =	sld [smem:$0x3FC8]  }
0x92: {  	s4 =	sld [smem:$0x3FC7]  }
0x93: {  	s5 =	sld [smem:$0x3FC6]  }
0x94: {  	s6 =	sld [smem:$0x3FC5]  }
0x95: {  	s7 =	sld [smem:$0x3FD0];
	(tm) =	ssettm $0x1  }
0x96: {  	s8 =	sld [smem:$0x3FFB];
	_ =	sdelay $0x3  }
0x97: {  	_ =	strace s8  }
0x98: {  	s8 =	sld [smem:$0x3FFC];
	_ =	sdelay $0x3  }
0x99: {  	_ =	strace s8  }
0x9a: {  	s8 =	sld [smem:$0x3FFD];
	_ =	sdelay $0x3  }
0x9b: {  	_ =	strace s8  }
0x9c: {  	_ =	strace $0x8FFFFFFF  }
0x9d: {  	s19 =	sld [smem:$0x3FDB];
	_ =	sdelay $0x1  }
0x9e: {  	s9 =	simm.s32 $_scs_section_size  }
0x9f: {  	s10 =	simm.s32 $_size__tile_overlayer_lowered;
	s11 =	simm.s32 $_tile_overlayer_lowered  }
0xa0: {  	s22 =	simm.s32 $0x1BFF;
	s21 =	sshll.u32 s11, $0x1;
	s8 =	sadd.s32 s9, s19  }
0xa1: {  	s12 =	simm.s32 $0x0;
	s20 =	sshll.u32 s10, $0x1;
	s10 =	sadd.s32 s21, s8  }
0xa2: {  	[timem:s12], [sflag:s22] =	dma.local [hbm:s10], s20  }
0xa3: {  	_ =	swait.ge [sflag:s22], s20  }
0xa4: {  	s9 =	ssub.s32 $0x0, s20;
	[sflag:s22] =	ssyncset.done $0x0  }
0xa5: {  	[sflag:s22] =	ssyncadd.s32 s9;
	_ =	sdelay $0x1  }
0xa6: {  	s23 =	simm.s32 $0x1B8B  }
0xa7: {  	_ =	swait.ge [sflag:s23], $0x1  }
0xa8: {  	[sflag:s23] =	ssyncset.done $0x0  }
0xa9: {  	s25 =	simm.s32 $0x1B8E;
	s24 =	sld [smem:$0x3FFE];
	[sflag:s23] =	ssyncadd.s32 $0xFFFFFFFF  }
0xaa: {  	s26 =	simm.s32 $execute0_lowered;
	[smem:$0x3FD2] =	sst s25  }
0xab: {  	s10 =	sshll.u32 s26, $0x1;
	_ =	strace $0x80000046;
	[dreg:$0x1] =	wrdreg $0xFFFFFFFF  }
0xac: {  	s28 =	simm.s32 $_size_execute0_lowered;
	s8 =	sadd.s32 s8, s10;
	[dreg:$0x0] =	wrdreg $0x0  }
0xad: {  	s10 =	sshll.u32 s28, $0x1;
	[dreg:$0x2] =	wrdreg s8  }
0xae: {  	[dreg:$0x3] =	wrdreg s10  }
0xaf: {  	[dreg:$0x4] =	wrdreg $0xC0  }
0xb0: {  	_ =	task [dreg:s12], $0x5FFFF  }
0xb1: {  	[dreg:$0x1] =	wrdreg $0xFFFFFFFF  }
0xb2: {  	[dreg:$0x0] =	wrdreg $0x60  }
0xb3: {  	[dreg:$0x2] =	wrdreg s2  }
0xb4: {  	[dreg:$0x3] =	wrdreg s18  }
0xb5: {  	[dreg:$0x4] =	wrdreg s4  }
0xb6: {  	[dreg:$0x5] =	wrdreg s5  }
0xb7: {  	[dreg:$0x6] =	wrdreg s6  }
0xb8: {  	[dreg:$0x7] =	wrdreg s24  }
0xb9: {  	[dreg:$0x8] =	wrdreg s7  }
0xba: {  	[dreg:$0x9] =	wrdreg $0x9  }
0xbb: {  	_ =	task.clear_ibuf [dreg:s12], $0xAFFFF;
	_ =	strace $0x90000046  }
0xbc: {  	s29 =	simm.s32 $0x9;
	_ =	strace $0x80000048  }
0xbd: {  	_ =	swait.ge [sflag:s29], $0x1  }
0xbe: {  	[sflag:s29] =	ssyncadd.s32 $0xFFFFFFFF  }
0xbf: {  	_ =	strace $0x90000048  }
0xc0: {  	_ =	sfence  }
0xc1: {  	s30 =	sld [smem:$0x0];
	_ =	sdelay $0x2  }
0xc2: {  	s31 =	sshll.u32 s1, $0xD;
	s1 =	sshrl.u32 s1, $0x2  }
0xc3: {  	s3 =	sand.u32 $0x4000, s31;
	s1 =	sadd.s32 s1, s30  }
0xc4: {  	s0 =	sor.u32 s3, s0;
	s1 =	sshll.u32 s1, $0x11  }
0xc5: {  	s0 =	sor.u32 s1, s0  }
0xc6: {  	s0 =	sadd.s32 $0x8F2B, s0  }
0xc7: {  	[sflag:s0] =	ssyncadd.remote.s32 $0x1  }
0xc8: {  	_ =	sfence.sel $0xFFFF  }
0xc9: {  	[dreg:$0x0] =	wrdreg $0xFFFFFFFF;
	(pc) =	sbr.abs _section_cstart, $3  }
0xca: {  	[dreg:$0x1] =	wrdreg $0xFFFFFFFF  }
0xcb: {  	_ =	task.clear_ibuf [dreg:s12], $0x2FFFF;
	_ =	strace $0x9FFFFFFF  }
0xcc: {  	(tm) =	ssettm $0x7FFFFFFF  }
0xcd: {  	_ =	shalt  }
tec
execute0_lowered:
.L_overlay_start_1:
0x0: {  	(tag) =	ssettag $0x1  }
0x1: {  	s7 =	rddreg [dreg:$0x0]  }
0x2: {  	s8 =	rddreg [dreg:$0x1]  }
0x3: {  	s0 =	rddreg [dreg:$0x2]  }
0x4: {  	s1 =	rddreg [dreg:$0x3]  }
0x5: {  	s2 =	rddreg [dreg:$0x4]  }
0x6: {  	s6 =	rddreg [dreg:$0x5]  }
0x7: {  	v0 =	vimm.s32 $0xFEDCBA98;
	s9 =	rddreg [dreg:$0x6];
	v1 =	vimm.s32 $0x76543210  }
0x8: {  	s3 =	rddreg [dreg:$0x7];
	v2 =	vimm.s32 $0xBA98FEDC;
	v3 =	vimm.s32 $0x32107654;
	v4 =	vimm.s32 $0xDCFE98BA  }
0x9: {  	s4 =	simm.s32 $0x0;
	s10 =	srdreg.scid;
	s5 =	stileid.u32;
	v5 =	vimm.s32 $0x54761032;
	v6 =	vimm.s32 $0xEFCDAB89;
	v7 =	vimm.s32 $0x67452301  }
0xa: {  	s14 =	simm.s32 $0x10480;
	s15 =	simm.s32 $0x400;
	s16 =	simm.s32 $0x8400;
	v0 =	vunpack.c.l.s4.s8 v0;
	v1 =	vunpack.c.l.s4.s8 v1;
	v2 =	vunpack.c.l.s4.s8 v2  }
0xb: {  	s17 =	simm.s32 $0x80;
	s18 =	simm.s32 $0x4400;
	s19 =	simm.s32 $0xC400;
	v3 =	vunpack.c.l.s4.s8 v3;
	v4 =	vunpack.c.l.s4.s8 v4;
	v5 =	vunpack.c.l.s4.s8 v5  }
0xc: {  	s20 =	simm.s32 $0x1;
	s21 =	simm.s32 $0x10500;
	s22 =	simm.s32 $0x2;
	v6 =	vunpack.c.l.s4.s8 v6;
	v7 =	vunpack.c.l.s4.s8 v7;
	v0 =	vunpack.c.0.s8.s32 v0  }
0xd: {  	s23 =	simm.s32 $0x0;
	[smem:$0x7FF] =	sst s4;
	s10 =	sand.u32 $0x1, s10;
	v2 =	vunpack.c.0.s8.s32 v2;
	v3 =	vunpack.c.0.s8.s32 v3;
	v4 =	vunpack.c.0.s8.s32 v4  }
0xe: {  	s12 =	sshll.u32 s5, $0x7;
	s6 =	sadd.s32 $0x400, s6;
	s11 =	ssub.s32 $0x2, s10;
	v5 =	vunpack.c.0.s8.s32 v5;
	v6 =	vunpack.c.0.s8.s32 v6;
	v7 =	vunpack.c.0.s8.s32 v7  }
0xf: {  	_ =	strace $0x80000047;
	s10 =	sshll.u32 s10, $0x6;
	s13 =	sshrl.u32 s11, $0x1;
	v1 =	vunpack.c.0.s8.s32 v1;
	v2 =	vcombine.low v3, v2  }
0x10: {  	s10 =	sor.u32 s10, s12;
	s12 =	simm.s32 $0x200;
	s11 =	ssub.s32 s11, s13;
	v3 =	vcombine.low v5, v4;
	v4 =	vcombine.low v7, v6;
	v0 =	vand.u32 $0xF, v0  }
0x11: {  	s7 =	sadd.s32 s7, s10;
	s8 =	sadd.s32 s8, s10;
	s9 =	sadd.s32 s9, s10;
	v0 =	vcombine.low v0, v1  }
0x12: {  	s13 =	simm.s32 $0x10400;
	s10 =	smax.u32 s11, $0x1;
	s11 =	simm.s32 $0x3;
	v1 =	vand.u32 $0xF, v2;
	v2 =	vand.u32 $0xF, v3;
	v3 =	vand.u32 $0xF, v4  }
.LBB2_1:
0x13: {  	[tilespmem:s4], [sflag:$0x3] =	stream.linear.gather [hbm4b:s7+s4], $0x200, $0x38;
	[tilespmem:$0x10700] =	vst v63  }
0x14: {  	_ =	swait.ge [sflag:s11], $0x200  }
0x15: {  	[sflag:s11] =	ssyncset.done $0x0  }
0x16: {  	[sflag:s11] =	ssyncadd.s32 $0xFFFFFE00  }
0x17: {  	[tilespmem:s12], [sflag:$0x3] =	stream.linear.gather [hbm4b:s8+s4], $0x200, $0x38;
	[tilespmem:$0x10700] =	vst v63  }
0x18: {  	_ =	swait.ge [sflag:s11], $0x200  }
0x19: {  	[sflag:s11] =	ssyncset.done $0x0  }
0x1a: {  	[sflag:s11] =	ssyncadd.s32 $0xFFFFFE00  }
0x1b: {  	[tilespmem:s13], [sflag:$0x3] =	stream.linear.gather [hbm4b:s2+s4], $0x80, $0x38;
	[tilespmem:$0x10700] =	vst v63  }
0x1c: {  	_ =	swait.ge [sflag:s11], $0x80  }
0x1d: {  	[sflag:s11] =	ssyncset.done $0x0  }
0x1e: {  	[sflag:s11] =	ssyncadd.s32 $0xFFFFFF80  }
0x1f: {  	[tilespmem:s14], [sflag:$0x3] =	stream.linear.gather [hbm4b:s6+s4], $0x80, $0x38;
	[tilespmem:$0x10700] =	vst v63  }
0x20: {  	_ =	swait.ge [sflag:s11], $0x80  }
0x21: {  	[sflag:s11] =	ssyncset.done $0x0  }
0x22: {  	[sflag:s11] =	ssyncadd.s32 $0xFFFFFF80  }
0x23: {  	v4 =	vld [tilespmem:$0x10400]  }
0x24: {  	v5 =	vld [tilespmem:$0x10410]  }
0x25: {  	v6 =	vld [tilespmem:$0x10420]  }
0x26: {  	v7 =	vld [tilespmem:$0x10430]  }
0x27: {  	v8 =	vld [tilespmem:$0x10440]  }
0x28: {  	v9 =	vld [tilespmem:$0x10450]  }
0x29: {  	p1 =	por $0x1, $0x1;
	v10 =	vld [tilespmem:$0x10460]  }
0x2a: {  	v11 =	vld [tilespmem:$0x10470];
	[tilespmem:s15], [sflag:$0x1] =	stream.indirect.gather [hbm4b:s0+s17], $0x80, s4, s17, $0xb8  }
0x2b: {  	s25 =	simm.s32 $0x280;
	s26 =	simm.s32 $0x80;
	s24 =	simm.s32 $0x0  }
0x2c: {  	[tilespmem:s16], [sflag:$0x1] =	stream.indirect.gather [hbm4b:s1+s17], $0x80, s12, s17, $0xb8;
	[tilespmem:$0x10700] =	vst v63  }
.LBB2_2:
0x2d: {  	[tilespmem:s18], [sflag:$0x2] =	stream.indirect.gather [hbm4b:s0+s17], $0x80, s26, s17, $0xb8;
	[tilespmem:$0x10700] =	vst v63  }
0x2e: {  	_ = 	snop  }
0x2f: {  	[tilespmem:s19], [sflag:$0x2] =	stream.indirect.gather [hbm4b:s1+s17], $0x80, s25, s17, $0xb8;
	[tilespmem:$0x10700] =	vst v63  }
0x30: {  	_ =	swait.ge [sflag:s20], $0x4000  }
0x31: {  	[sflag:s20] =	ssyncset.done $0x0  }
0x32: {  	[sflag:s20] =	ssyncadd.s32 $0xFFFFC000  }
0x33: {  	_ =	swait.ge [sflag:s20], $0x4000  }
0x34: {  	[sflag:s20] =	ssyncset.done $0x0  }
0x35: {  	s31 =	simm.s32 $0x480;
	[sflag:s20] =	ssyncadd.s32 $0xFFFFC000  }
0x36: {  	v12 =	vld [tilespmem:s31+$0x20]  }
0x37: {  	s25 =	simm.s32 $0x8480;
	v13 =	vld [tilespmem:s31+$0x0]  }
0x38: {  	v14 =	vld [tilespmem:s25+$0x0]  }
0x39: {  	v15 =	vld [tilespmem:s31+$0x10]  }
0x3a: {  	v16 =	vld [tilespmem:s25+$0x10]  }
0x3b: {  	v17 =	vld [tilespmem:s25+$0x20]  }
0x3c: {  	v18 =	vld [tilespmem:s25+$0xFFFFFF80]  }
0x3d: {  	v19 =	vld [tilespmem:s31+$0x30]  }
0x3e: {  	v20 =	vld [tilespmem:s25+$0x30]  }
0x3f: {  	v21 =	vld [tilespmem:s25+$0x50]  }
0x40: {  	v13 =	vmul.f32 v14, v13;
	v14 =	vmul.f32 v16, v15;
	v15 =	vld [tilespmem:s31+$0x40]  }
0x41: {  	v12 =	vmul.f32 v17, v12;
	v16 =	vld [tilespmem:s25+$0x40]  }
0x42: {  	v22 =	vld [tilespmem:s31+$0xFFFFFF90];
	v13 =	vmul.f32 v13, v4;
	v14 =	vmul.f32 v14, v5  }
0x43: {  	v17 =	vld [tilespmem:s31+$0x50]  }
0x44: {  	v12 =	vmul.f32 v12, v6;
	v13 =	vadd.f32 v14, v13;
	v14 =	vmul.f32 v20, v19;
	v19 =	vld [tilespmem:s31+$0x60]  }
0x45: {  	v20 =	vld [tilespmem:s25+$0x60]  }
0x46: {  	v12 =	vadd.f32 v12, v13;
	v13 =	vmul.f32 v14, v7;
	v14 =	vmul.f32 v16, v15;
	v15 =	vld [tilespmem:s31+$0x70]  }
0x47: {  	v16 =	vld [tilespmem:s25+$0x70]  }
0x48: {  	v12 =	vadd.f32 v13, v12;
	v13 =	vmul.f32 v14, v8;
	v14 =	vmul.f32 v21, v17;
	v17 =	vld [tilespmem:s25+$0xFFFFFF90]  }
0x49: {  	v21 =	vld [tilespmem:s31+$0xFFFFFF80]  }
0x4a: {  	v12 =	vadd.f32 v13, v12;
	v13 =	vmul.f32 v14, v9;
	v14 =	vmul.f32 v20, v19;
	v19 =	vld [tilespmem:s31+$0xFFFFFFA0]  }
0x4b: {  	v20 =	vld [tilespmem:s25+$0xFFFFFFA0]  }
0x4c: {  	v12 =	vadd.f32 v13, v12;
	v13 =	vmul.f32 v14, v10;
	v14 =	vmul.f32 v16, v15  }
0x4d: {  	v15 =	vld [tilespmem:s31+$0xFFFFFFB0]  }
0x4e: {  	v16 =	vld [tilespmem:s25+$0xFFFFFFB0];
	v12 =	vadd.f32 v13, v12;
	v13 =	vmul.f32 v14, v11  }
0x4f: {  	v14 =	vmul.f32 v17, v22;
	v17 =	vmul.f32 v18, v21;
	v18 =	vld [tilespmem:s31+$0xFFFFFFC0]  }
0x50: {  	v22 =	vld [tilespmem:s25+$0xFFFFFFC0];
	v19 =	vmul.f32 v20, v19;
	v21 =	vadd.f32 v13, v12  }
0x51: {  	v23 =	vmul.f32 v14, v5;
	v17 =	vmul.f32 v17, v4;
	v12 =	vld [tilespmem:s31+$0xFFFFFFD0]  }
0x52: {  	v14 =	vld [tilespmem:s25+$0xFFFFFFD0];
	v20 =	vperm.xlane v21, v0  }
0x53: {  	v13 =	vld [tilespmem:s31+$0xFFFFFFE0];
	v16 =	vmul.f32 v16, v15;
	v19 =	vmul.f32 v19, v6;
	v23 =	vadd.f32 v23, v17  }
0x54: {  	v17 =	vld [tilespmem:s25+$0xFFFFFFE0];
	v15 =	vadd.f32 v21, v20  }
0x55: {  	p0 =	por p1, p1;
	v22 =	vmul.f32 v22, v18;
	v18 =	vld [tilespmem:s25+$0xFFFFFFF0];
	v20 =	vmul.f32 v16, v7;
	v21 =	vadd.f32 v19, v23  }
0x56: {  	s26 =	simm.s32 $0xFFFFFFFE;
	s28 =	simm.s32 $0x0;
	s29 =	simm.s32 $0x580;
	v16 =	vld [tilespmem:s31+$0xFFFFFFF0];
	v19 =	vperm.xlane v15, v1  }
.LBB2_3:
0x57: {  	v23 =	vld [tilespmem:s29+$0x20];
	v20 =	vadd.f32 v20, v21;
	v21 =	vmul.f32 v22, v8;
	v12 =	vmul.f32 v14, v12  }
0x58: {  	s25 =	sadd.s32 $0x100, s25;
	v14 =	vld [tilespmem:s29+$0x0];
	v15 =	vadd.f32 v15, v19  }
0x59: {  	v19 =	vld [tilespmem:s25+$0x0];
	v20 =	vadd.f32 v21, v20;
	v12 =	vmul.f32 v12, v9;
	v13 =	vmul.f32 v17, v13  }
0x5a: {  	v17 =	vld [tilespmem:s29+$0x10];
	v21 =	vperm.xlane v15, v2  }
0x5b: {  	s30 =	sadd.s32 s26, s24;
	s26 =	smov.u32 s28;
	s28 =	sadd.s32 $0x2, s28;
	v22 =	vld [tilespmem:s25+$0x10];
	v12 =	vadd.f32 v12, v20;
	v13 =	vmul.f32 v13, v10;
	v16 =	vmul.f32 v18, v16  }
0x5c: {  	p1 =	slt.u32 s28, $0x7E;
	s31 =	sadd.s32 $0x2, s30;
	s30 =	sadd.s32 $0x3, s30;
	v18 =	vld [tilespmem:s25+$0x20];
	v15 =	vadd.f32 v15, v21  }
0x5d: {  	v20 =	vld [tilespmem:s25+$0xFFFFFF80];
	v12 =	vadd.f32 v13, v12;
	v13 =	vmul.f32 v16, v11;
	v16 =	vmov s30  }
0x5e: {  	v24 =	vmov s31;
	v21 =	vld [tilespmem:s29+$0x30];
	v25 =	vperm.xlane v15, v3  }
0x5f: {  	v26 =	vld [tilespmem:s25+$0x30];
	v12 =	vadd.f32 v13, v12;
	v13 =	vand.u32 $0xFFFFFFFE, v24  }
0x60: {  	v14 =	vmul.f32 v19, v14;
	v17 =	vmul.f32 v22, v17;
	v19 =	vld [tilespmem:s29+$0x40];
	v15 =	vadd.f32 v15, v25  }
0x61: {  	v18 =	vmul.f32 v18, v23;
	v22 =	vld [tilespmem:s25+$0x40];
	v23 =	vperm.xlane v12, v0  }
0x62: {  	v14 =	vmul.f32 v14, v4;
	v17 =	vmul.f32 v17, v5;
	v24 =	vld [tilespmem:s29+$0x50];
	[tilespmem:v16+s21+$0x0] =	vst.idx.msk $0x1, v15  }
0x63: {  	v13 =	vbroadcast v13, $0x0;
	v15 =	vld [tilespmem:s25+$0x50];
	v12 =	vadd.f32 v12, v23  }
0x64: {  	v16 =	vmul.f32 v18, v6;
	v14 =	vadd.f32 v17, v14;
	v17 =	vmul.f32 v26, v21;
	v18 =	vld [tilespmem:s29+$0x60]  }
0x65: {  	v21 =	vld [tilespmem:s25+$0x60];
	v23 =	vperm.xlane v12, v1  }
0x66: {  	v14 =	vadd.f32 v16, v14;
	v16 =	vmul.f32 v17, v7;
	v17 =	vmul.f32 v22, v19;
	v19 =	vld [tilespmem:s29+$0x70]  }
0x67: {  	v22 =	vld [tilespmem:s25+$0x70];
	v12 =	vadd.f32 v12, v23  }
0x68: {  	v23 =	vld [tilespmem:s29+$0xFFFFFF90];
	v14 =	vadd.f32 v16, v14;
	v16 =	vmul.f32 v17, v8;
	v15 =	vmul.f32 v15, v24  }
0x69: {  	v17 =	vld [tilespmem:s25+$0xFFFFFF90];
	v24 =	vperm.xlane v12, v2  }
0x6a: {  	v25 =	vld [tilespmem:s29+$0xFFFFFF80];
	v14 =	vadd.f32 v16, v14;
	v15 =	vmul.f32 v15, v9;
	v16 =	vmul.f32 v21, v18  }
0x6b: {  	v18 =	vld [tilespmem:s29+$0xFFFFFFA0];
	v12 =	vadd.f32 v12, v24  }
0x6c: {  	v21 =	vld [tilespmem:s25+$0xFFFFFFA0];
	v14 =	vadd.f32 v15, v14;
	v15 =	vmul.f32 v16, v10;
	v16 =	vmul.f32 v22, v19  }
0x6d: {  	v19 =	vld [tilespmem:s29+$0xFFFFFFB0];
	v22 =	vperm.xlane v12, v3  }
0x6e: {  	v17 =	vmul.f32 v17, v23;
	v23 =	vld [tilespmem:s25+$0xFFFFFFB0];
	v14 =	vadd.f32 v15, v14;
	v15 =	vmul.f32 v16, v11  }
0x6f: {  	v16 =	vmul.f32 v20, v25;
	v24 =	vld [tilespmem:s29+$0xFFFFFFC0];
	v20 =	vadd.f32 v12, v22  }
0x70: {  	v17 =	vmul.f32 v17, v5;
	v22 =	vld [tilespmem:s25+$0xFFFFFFC0];
	v15 =	vadd.f32 v15, v14  }
0x71: {  	v16 =	vmul.f32 v16, v4;
	v18 =	vmul.f32 v21, v18;
	v12 =	vld [tilespmem:s29+$0xFFFFFFD0];
	[tilespmem:v13+s21+$0x0] =	vst.idx.msk $0x1, v20  }
.Ltmp0:
0x72: {  	v14 =	vld [tilespmem:s25+$0xFFFFFFD0];
	v20 =	vperm.xlane v15, v0;
	(pc) =	sbr.rel @p1 .LBB2_3-.Ltmp0, $4  }
0x73: {  	v16 =	vadd.f32 v17, v16;
	v18 =	vmul.f32 v18, v6;
	v19 =	vmul.f32 v23, v19;
	v13 =	vld [tilespmem:s29+$0xFFFFFFE0]  }
0x74: {  	v17 =	vld [tilespmem:s25+$0xFFFFFFE0];
	v15 =	vadd.f32 v15, v20  }
0x75: {  	v21 =	vadd.f32 v18, v16;
	v20 =	vmul.f32 v19, v7;
	v22 =	vmul.f32 v22, v24;
	v16 =	vld [tilespmem:s29+$0xFFFFFFF0]  }
0x76: {  	s29 =	sadd.s32 $0x100, s29;
	v18 =	vld [tilespmem:s25+$0xFFFFFFF0];
	v19 =	vperm.xlane v15, v1  }
0x77: {  	v20 =	vadd.f32 v20, v21;
	v21 =	vmul.f32 v22, v8;
	v12 =	vmul.f32 v14, v12;
	_ =	sdelay $0x1  }
0x78: {  	v14 =	vadd.f32 v21, v20;
	v12 =	vmul.f32 v12, v9;
	v13 =	vmul.f32 v17, v13;
	_ =	sdelay $0x1  }
0x79: {  	v12 =	vadd.f32 v12, v14;
	v13 =	vmul.f32 v13, v10;
	v14 =	vmul.f32 v18, v16;
	_ =	sdelay $0x1  }
0x7a: {  	v12 =	vadd.f32 v13, v12;
	v13 =	vmul.f32 v14, v11;
	_ =	sdelay $0x1  }
0x7b: {  	v12 =	vadd.f32 v13, v12;
	_ =	sdelay $0x1  }
0x7c: {  	v13 =	vperm.xlane v12, v0;
	_ =	sdelay $0x1  }
0x7d: {  	v12 =	vadd.f32 v12, v13;
	_ =	sdelay $0x1  }
0x7e: {  	v13 =	vperm.xlane v12, v1  }
0x7f: {  	v14 =	vadd.f32 v15, v19  }
0x80: {  	s25 =	sadd.s32 s26, s24;
	v12 =	vadd.f32 v12, v13  }
0x81: {  	s26 =	sadd.s32 $0x2, s25;
	v13 =	vperm.xlane v14, v2  }
0x82: {  	v15 =	vmov s26;
	v16 =	vperm.xlane v12, v2  }
0x83: {  	s25 =	sadd.s32 $0x3, s25;
	v13 =	vadd.f32 v14, v13;
	v14 =	vand.u32 $0xFFFFFFFE, v15  }
0x84: {  	v15 =	vmov s25;
	v14 =	vbroadcast v14, $0x0;
	v12 =	vadd.f32 v12, v16  }
0x85: {  	v16 =	vperm.xlane v13, v3  }
0x86: {  	v17 =	vperm.xlane v12, v3  }
0x87: {  	v13 =	vadd.f32 v13, v16  }
0x88: {  	v12 =	vadd.f32 v12, v17  }
0x89: {  	[tilespmem:v15+s21+$0x0] =	vst.idx.msk $0x1, v13  }
0x8a: {  	s28 =	simm.s32 @p0 $0x400;
	s26 =	simm.s32 @p0 $0x100;
	s25 =	simm.s32 @p0 $0x80;
	[tilespmem:v14+s21+$0x0] =	vst.idx.msk $0x1, v12  }
0x8b: {  	[tilespmem:s28], [sflag:$0x1] =	stream.indirect.gather @p0 [hbm4b:s0+s25], $0x80, s26, s25, $0xb8;
	[tilespmem:$0x10700] =	vst v63  }
0x8c: {  	s26 =	simm.s32 @p0 $0x300;
	s28 =	simm.s32 @p0 $0x8400  }
0x8d: {  	[tilespmem:s28], [sflag:$0x1] =	stream.indirect.gather @p0 [hbm4b:s1+s25], $0x80, s26, s25, $0xb8;
	[tilespmem:$0x10700] =	vst v63  }
0x8e: {  	_ =	swait.ge [sflag:s22], $0x4000  }
0x8f: {  	[sflag:s22] =	ssyncset.done $0x0  }
0x90: {  	[sflag:s22] =	ssyncadd.s32 $0xFFFFC000  }
0x91: {  	_ =	swait.ge [sflag:s22], $0x4000  }
0x92: {  	[sflag:s22] =	ssyncset.done $0x0  }
0x93: {  	s25 =	simm.s32 $0x0;
	[sflag:s22] =	ssyncadd.s32 $0xFFFFC000  }
0x94: {  	v12 =	vld [tilespmem:s25+$0x44A0]  }
0x95: {  	v13 =	vld [tilespmem:s25+$0x4480]  }
0x96: {  	v14 =	vld [tilespmem:s25+$0xC480]  }
0x97: {  	v15 =	vld [tilespmem:s25+$0x4490]  }
0x98: {  	v16 =	vld [tilespmem:s25+$0xC490]  }
0x99: {  	v17 =	vld [tilespmem:s25+$0xC4A0]  }
0x9a: {  	v18 =	vld [tilespmem:s25+$0x4400]  }
0x9b: {  	v19 =	vld [tilespmem:s25+$0x44B0]  }
0x9c: {  	v20 =	vld [tilespmem:s25+$0xC4B0]  }
0x9d: {  	v13 =	vmul.f32 v14, v13;
	v14 =	vmul.f32 v16, v15;
	v15 =	vld [tilespmem:s25+$0x44C0]  }
0x9e: {  	v12 =	vmul.f32 v17, v12;
	v16 =	vld [tilespmem:s25+$0xC4C0]  }
0x9f: {  	v21 =	vld [tilespmem:s25+$0xC4D0];
	v13 =	vmul.f32 v13, v4;
	v14 =	vmul.f32 v14, v5  }
0xa0: {  	v17 =	vld [tilespmem:s25+$0x44D0]  }
0xa1: {  	v12 =	vmul.f32 v12, v6;
	v13 =	vadd.f32 v14, v13;
	v14 =	vmul.f32 v20, v19;
	v19 =	vld [tilespmem:s25+$0x44E0]  }
0xa2: {  	v20 =	vld [tilespmem:s25+$0xC4E0]  }
0xa3: {  	v12 =	vadd.f32 v12, v13;
	v13 =	vmul.f32 v14, v7;
	v14 =	vmul.f32 v16, v15;
	v15 =	vld [tilespmem:s25+$0x44F0]  }
0xa4: {  	v16 =	vld [tilespmem:s25+$0xC4F0]  }
0xa5: {  	v22 =	vld [tilespmem:s25+$0xC400];
	v12 =	vadd.f32 v13, v12;
	v13 =	vmul.f32 v14, v8;
	v14 =	vmul.f32 v21, v17  }
0xa6: {  	v17 =	vld [tilespmem:s25+$0x4410]  }
0xa7: {  	v21 =	vld [tilespmem:s25+$0xC410];
	v12 =	vadd.f32 v13, v12;
	v13 =	vmul.f32 v14, v9;
	v14 =	vmul.f32 v20, v19  }
0xa8: {  	v19 =	vld [tilespmem:s25+$0x4420]  }
0xa9: {  	v20 =	vld [tilespmem:s25+$0xC420];
	v12 =	vadd.f32 v13, v12;
	v13 =	vmul.f32 v14, v10;
	v14 =	vmul.f32 v16, v15  }
0xaa: {  	v15 =	vld [tilespmem:s25+$0x4430]  }
0xab: {  	v16 =	vmul.f32 v22, v18;
	v18 =	vld [tilespmem:s25+$0xC430];
	v12 =	vadd.f32 v13, v12;
	v13 =	vmul.f32 v14, v11  }
0xac: {  	v14 =	vmul.f32 v21, v17;
	v17 =	vld [tilespmem:s25+$0x4440]  }
0xad: {  	v16 =	vmul.f32 v16, v4;
	v21 =	vld [tilespmem:s25+$0xC440];
	v13 =	vadd.f32 v13, v12  }
0xae: {  	v19 =	vmul.f32 v20, v19;
	v22 =	vmul.f32 v14, v5;
	v12 =	vld [tilespmem:s25+$0x4450]  }
0xaf: {  	v14 =	vld [tilespmem:s25+$0xC450];
	v20 =	vperm.xlane v13, v0  }
0xb0: {  	v19 =	vmul.f32 v19, v6;
	v23 =	vmul.f32 v18, v15;
	v15 =	vld [tilespmem:s25+$0x4460];
	v22 =	vadd.f32 v22, v16  }
0xb1: {  	v16 =	vld [tilespmem:s25+$0xC460];
	v13 =	vadd.f32 v13, v20  }
0xb2: {  	s29 =	simm.s32 $0x400;
	s26 =	simm.s32 $0xFFFFFFFE;
	s28 =	simm.s32 $0x0;
	v18 =	vadd.f32 v19, v22;
	v19 =	vmul.f32 v23, v7;
	v20 =	vmul.f32 v21, v17;
	v17 =	vld [tilespmem:s25+$0x4470]  }
.LBB2_5:
0xb3: {  	v21 =	vld [tilespmem:s25+$0xC470];
	s25 =	sshra.s32 s29, $0x2;
	v22 =	vperm.xlane v13, v1;
	s30 =	smov.u32 s28  }
0xb4: {  	v23 =	vld [tilespmem:s25+$0x44A0];
	v18 =	vadd.f32 v19, v18;
	v19 =	vmul.f32 v20, v8;
	v12 =	vmul.f32 v14, v12  }
0xb5: {  	v14 =	vld [tilespmem:s25+$0x4480];
	v13 =	vadd.f32 v13, v22  }
0xb6: {  	v20 =	vld [tilespmem:s25+$0xC480];
	v18 =	vadd.f32 v19, v18;
	v12 =	vmul.f32 v12, v9;
	v15 =	vmul.f32 v16, v15  }
0xb7: {  	s28 =	sadd.s32 $0x2, s28;
	v16 =	vld [tilespmem:s25+$0x4490];
	v19 =	vperm.xlane v13, v2  }
0xb8: {  	s31 =	sadd.s32 s26, s24;
	p1 =	slt.u32 s28, $0x7E;
	s26 =	smov.u32 s30;
	v22 =	vld [tilespmem:s25+$0xC490];
	v12 =	vadd.f32 v12, v18;
	v15 =	vmul.f32 v15, v10;
	v17 =	vmul.f32 v21, v17  }
0xb9: {  	s30 =	sadd.s32 $0x82, s31;
	s31 =	sadd.s32 $0x83, s31;
	v18 =	vld [tilespmem:s25+$0xC4A0];
	v13 =	vadd.f32 v13, v19  }
0xba: {  	v19 =	vld [tilespmem:s25+$0x4400];
	v12 =	vadd.f32 v15, v12;
	v15 =	vmul.f32 v17, v11;
	v17 =	vmov s31  }
0xbb: {  	v24 =	vmov s30;
	v21 =	vld [tilespmem:s25+$0x44B0];
	v25 =	vperm.xlane v13, v3  }
0xbc: {  	v26 =	vld [tilespmem:s25+$0xC4B0];
	v12 =	vadd.f32 v15, v12;
	v15 =	vand.u32 $0xFFFFFFFE, v24  }
0xbd: {  	v14 =	vmul.f32 v20, v14;
	v16 =	vmul.f32 v22, v16;
	v20 =	vld [tilespmem:s25+$0x44C0];
	v13 =	vadd.f32 v13, v25  }
0xbe: {  	v18 =	vmul.f32 v18, v23;
	v22 =	vld [tilespmem:s25+$0xC4C0];
	v23 =	vperm.xlane v12, v0  }
0xbf: {  	v14 =	vmul.f32 v14, v4;
	v16 =	vmul.f32 v16, v5;
	v24 =	vld [tilespmem:s25+$0x44D0];
	[tilespmem:v17+s21+$0x0] =	vst.idx.msk $0x1, v13  }
0xc0: {  	v15 =	vbroadcast v15, $0x0;
	v13 =	vld [tilespmem:s25+$0xC4D0];
	v12 =	vadd.f32 v12, v23  }
0xc1: {  	v14 =	vadd.f32 v16, v14;
	v16 =	vmul.f32 v18, v6;
	v17 =	vmul.f32 v26, v21;
	v18 =	vld [tilespmem:s25+$0x44E0]  }
0xc2: {  	v21 =	vld [tilespmem:s25+$0xC4E0];
	v23 =	vperm.xlane v12, v1  }
0xc3: {  	v14 =	vadd.f32 v16, v14;
	v16 =	vmul.f32 v17, v7;
	v17 =	vmul.f32 v22, v20;
	v20 =	vld [tilespmem:s25+$0x44F0]  }
0xc4: {  	v22 =	vld [tilespmem:s25+$0xC4F0];
	v12 =	vadd.f32 v12, v23  }
0xc5: {  	v23 =	vld [tilespmem:s25+$0xC400];
	v14 =	vadd.f32 v16, v14;
	v16 =	vmul.f32 v17, v8;
	v13 =	vmul.f32 v13, v24  }
0xc6: {  	v17 =	vld [tilespmem:s25+$0x4410];
	v24 =	vperm.xlane v12, v2  }
0xc7: {  	v25 =	vld [tilespmem:s25+$0xC410];
	v14 =	vadd.f32 v16, v14;
	v13 =	vmul.f32 v13, v9;
	v16 =	vmul.f32 v21, v18  }
0xc8: {  	v18 =	vld [tilespmem:s25+$0x4420];
	v12 =	vadd.f32 v12, v24  }
0xc9: {  	v21 =	vld [tilespmem:s25+$0xC420];
	v13 =	vadd.f32 v13, v14;
	v14 =	vmul.f32 v16, v10;
	v16 =	vmul.f32 v22, v20  }
0xca: {  	v19 =	vmul.f32 v23, v19;
	v20 =	vld [tilespmem:s25+$0x4430];
	v22 =	vperm.xlane v12, v3  }
0xcb: {  	v23 =	vld [tilespmem:s25+$0xC430];
	v13 =	vadd.f32 v14, v13;
	v14 =	vmul.f32 v16, v11  }
0xcc: {  	v16 =	vmul.f32 v19, v4;
	v17 =	vmul.f32 v25, v17;
	v24 =	vld [tilespmem:s25+$0x4440];
	v19 =	vadd.f32 v12, v22  }
0xcd: {  	v22 =	vld [tilespmem:s25+$0xC440];
	v13 =	vadd.f32 v14, v13  }
.Ltmp1:
0xce: {  	v17 =	vmul.f32 v17, v5;
	v18 =	vmul.f32 v21, v18;
	v12 =	vld [tilespmem:s25+$0x4450];
	[tilespmem:v15+s21+$0x0] =	vst.idx.msk $0x1, v19;
	(pc) =	sbr.rel @p1 .LBB2_5-.Ltmp1, $4  }
0xcf: {  	v14 =	vld [tilespmem:s25+$0xC450];
	v19 =	vperm.xlane v13, v0  }
0xd0: {  	v17 =	vadd.f32 v17, v16;
	v18 =	vmul.f32 v18, v6;
	v20 =	vmul.f32 v23, v20;
	v15 =	vld [tilespmem:s25+$0x4460]  }
0xd1: {  	v16 =	vld [tilespmem:s25+$0xC460];
	v13 =	vadd.f32 v13, v19  }
0xd2: {  	s29 =	sadd.s32 $0x400, s29;
	v18 =	vadd.f32 v18, v17;
	v19 =	vmul.f32 v20, v7;
	v20 =	vmul.f32 v22, v24;
	v17 =	vld [tilespmem:s25+$0x4470]  }
0xd3: {  	v21 =	vld [tilespmem:s25+$0xC470]  }
0xd4: {  	v18 =	vadd.f32 v19, v18;
	v51 =	vmul.f32 v20, v8;
	v12 =	vmul.f32 v14, v12;
	_ =	sdelay $0x1  }
0xd5: {  	v52 =	vadd.f32 v51, v18;
	v12 =	vmul.f32 v12, v9;
	v15 =	vmul.f32 v16, v15;
	_ =	sdelay $0x1  }
0xd6: {  	v12 =	vadd.f32 v12, v52;
	v53 =	vmul.f32 v15, v10;
	v54 =	vmul.f32 v21, v17;
	_ =	sdelay $0x1  }
0xd7: {  	v12 =	vadd.f32 v53, v12;
	v55 =	vmul.f32 v54, v11;
	_ =	sdelay $0x1  }
0xd8: {  	v12 =	vadd.f32 v55, v12;
	_ =	sdelay $0x1  }
0xd9: {  	v14 =	vperm.xlane v12, v0;
	_ =	sdelay $0x1  }
0xda: {  	v12 =	vadd.f32 v12, v14  }
0xdb: {  	v56 =	vperm.xlane v13, v1  }
0xdc: {  	v57 =	vperm.xlane v12, v1  }
0xdd: {  	v13 =	vadd.f32 v13, v56  }
0xde: {  	s24 =	sadd.s32 s26, s24;
	v12 =	vadd.f32 v12, v57  }
0xdf: {  	s31 =	sadd.s32 $0x82, s24;
	v14 =	vperm.xlane v13, v2  }
0xe0: {  	v58 =	vmov s31;
	v59 =	vperm.xlane v12, v2  }
0xe1: {  	s24 =	sadd.s32 $0x83, s24;
	v60 =	vand.u32 $0xFFFFFFFE, v58;
	v13 =	vadd.f32 v13, v14  }
0xe2: {  	v61 =	vmov s24;
	v14 =	vbroadcast v60, $0x0;
	v12 =	vadd.f32 v12, v59  }
0xe3: {  	v62 =	vperm.xlane v13, v3  }
.Ltmp2:
0xe4: {  	v63 =	vperm.xlane v12, v3;
	(pc) =	sbr.rel @p0 .LBB2_2-.Ltmp2, $4  }
0xe5: {  	v13 =	vadd.f32 v13, v62  }
0xe6: {  	v12 =	vadd.f32 v12, v63  }
0xe7: {  	p1 =	por $0x0, $0x0;
	[tilespmem:v61+s21+$0x0] =	vst.idx.msk $0x1, v13  }
0xe8: {  	s25 =	simm.s32 $0x380;
	s26 =	simm.s32 $0x180;
	s24 =	simm.s32 $0x100;
	[tilespmem:v14+s21+$0x0] =	vst.idx.msk $0x1, v12  }
0xe9: {  	v4 =	vld [tilespmem:$0x10480];
	s24 =	simm.s32 $0x0;
	s25 =	simm.s32 $0x40  }
.LBB2_8:
0xea: {  	p0 =	sne.s32 s25, $0x7C0;
	v5 =	vld [tilespmem:s24+$0x10500];
	_ =	sdelay $0x4  }
0xeb: {  	v5 =	vadd.f32 v5, v4;
	_ =	sdelay $0x1  }
0xec: {  	v5 =	vsub.f32 $0.0e+00, v5;
	_ =	sdelay $0x1  }
0xed: {  	v5 =	vmul.f32 $1.442695020e+00, v5;
	_ =	sdelay $0x1  }
0xee: {  	(erf) = vpow2.f32 v5;
	_ =	sdelay $0x8  }
0xef: {  	v5 =	vpop (erf)  }
0xf0: {  	v5 =	vadd.f32 $1.000000000e+00, v5;
	_ =	sdelay $0x1  }
0xf1: {  	(erf) = vrcp.f32 v5;
	_ =	sdelay $0x5  }
.Ltmp3:
0xf2: {  	(pc) =	sbr.rel @p0 .LBB2_8-.Ltmp3, $3  }
0xf3: {  	_ =	sdelay $0x1  }
0xf4: {  	v5 =	vpop (erf)  }
0xf5: {  	[tilespmem:s24+$0x10500] =	vst v5;
	s24 =	sshra.s32 s25, $0x2;
	s25 =	sadd.s32 $0x40, s25  }
0xf6: {  	v5 =	vld [tilespmem:s24+$0x10500];
	_ =	sdelay $0x4  }
0xf7: {  	v4 =	vadd.f32 v5, v4;
	_ =	sdelay $0x1  }
0xf8: {  	v4 =	vsub.f32 $0.0e+00, v4;
	_ =	sdelay $0x1  }
0xf9: {  	v4 =	vmul.f32 $1.442695020e+00, v4;
	_ =	sdelay $0x1  }
0xfa: {  	(erf) = vpow2.f32 v4;
	_ =	sdelay $0x8  }
0xfb: {  	v4 =	vpop (erf)  }
0xfc: {  	v4 =	vadd.f32 $1.000000000e+00, v4;
	_ =	sdelay $0x1  }
0xfd: {  	(erf) = vrcp.f32 v4;
	_ =	sdelay $0x7  }
0xfe: {  	s23 =	sadd.s32 $0x1, s23  }
0xff: {  	p0 =	sne.s32 s23, s10;
	v4 =	vpop (erf)  }
.Ltmp4:
0x100: {  	[tilespmem:s24+$0x10500] =	vst v4;
	(pc) =	sbr.rel @p0 .LBB2_1-.Ltmp4, $4  }
0x101: {  	[hbm4b:s9+s4] =	stream.linear.scatter [tilespmem:s21], [sflag:$0x3], $0x200, $0x38;
	[tilespmem:$0x10700] =	vst v63  }
0x102: {  	_ =	swait.ge [sflag:s11], $0x200  }
0x103: {  	[sflag:s11] =	ssyncset.done $0x0  }
0x104: {  	[sflag:s11] =	ssyncadd.s32 $0xFFFFFE00  }
0x105: {  	_ =	sfence.sel $0x180000  }
0x106: {  	[bflag:$0x0] =	sbarrier.arrive $0xFFFF  }
0x107: {  	p0 =	sne.s32 s5, $0x0;
	_ =	strace $0x90000047  }
0x108: {  	s0 =	sadd.s32 @!p0 $0x100000, s3;
	[bflag:$0x2] =	sbarrier.arrive $0xFFFF  }
0x109: {  	[sflag:s0] =	ssyncadd.tile.s32 @!p0 $0x1;
	_ =	shalt  }
.Lfunc_end2:
_tile_overlayer_lowered:
.L_overlay_start_2:
0x10a: {  	(tag) =	ssettag $0x2  }
0x10b: {  	s0 =	rddreg [dreg:$0x0];
	s2 =	stileid.u32  }
0x10c: {  	s1 =	rddreg [dreg:$0x1];
	p0 =	sne.s32 s2, $0x0  }
0x10d: {  	s3 =	rddreg [dreg:$0x2];
	[bflag:$0x3] =	sbarrier.arrive $0xFFFF;
	s2 =	simm.s32 @!p0 $0x1C03  }
0x10e: {  	[timem:s3], [sflag:s2] =	dma.local @!p0 [hbm:s0], s1  }
0x10f: {  	s0 =	simm.s32 @!p0 $0x3  }
0x110: {  	_ =	swait.ge @!p0 [sflag:s0], s1  }
0x111: {  	s1 =	ssub.s32 @!p0 $0x0, s1;
	[sflag:s0] =	ssyncset.done @!p0 $0x0  }
0x112: {  	[sflag:s0] =	ssyncadd.s32 @!p0 s1  }
0x113: {  	[bflag:$0x3] =	sbarrier.arrive $0xFFFF  }
0x114: {  	_ =	shalt  }

</sc_bundles>
